<compile_context>
chip_gen: v7x
topology: tpu7x:2x2x1
jax: 0.10.2.dev20260603
libtpu: 0.0.44.dev20260713+nightly
codegen_flags: <defaults>
</compile_context>

<pallas_src>
import functools

import jax
import jax.numpy as jnp
from jax import lax
from jax.experimental import pallas as pl
from jax.experimental.pallas import tpu as pltpu
from jax.experimental.pallas import tpu_sc as plsc

N = 10000
E = 320000
D = 128
VC = 16

NC = 2
NS = 16
DH = D // NC
VH = 3 * (VC // NC)
PC = DH + VH
EPS = E // NS
CHUNK = 80
NCHUNK = EPS // CHUNK

BE = 2000
BN = 1000


def _edge_body(rad_ref, vec_ref, wr1_ref, wr2_ref, p_ref):
    h = jax.nn.silu(jnp.dot(rad_ref[...], wr1_ref[...],
                            preferred_element_type=jnp.float32))
    ew = jnp.dot(h, wr2_ref[...], preferred_element_type=jnp.float32)
    v = vec_ref[...]
    r = jnp.sqrt(v[:, 0:1] ** 2 + v[:, 1:2] ** 2 + v[:, 2:3] ** 2)
    rinv = 1.0 / (r + 1e-9)
    vh = [v[:, i:i + 1] * rinv for i in range(3)]
    for cc in range(NC):
        ew8 = ew[:, cc * (VC // NC):(cc + 1) * (VC // NC)]
        p_ref[cc] = jnp.concatenate(
            [ew[:, cc * DH:(cc + 1) * DH]] + [vhi * ew8 for vhi in vh], axis=1)


_edge_call = pl.pallas_call(
    _edge_body,
    grid=(E // BE,),
    in_specs=[
        pl.BlockSpec((BE, 8), lambda i: (i, 0)),
        pl.BlockSpec((BE, 3), lambda i: (i, 0)),
        pl.BlockSpec((8, 64), lambda i: (0, 0)),
        pl.BlockSpec((64, D), lambda i: (0, 0)),
    ],
    out_specs=pl.BlockSpec((NC, BE, PC), lambda i: (0, i, 0)),
    out_shape=jax.ShapeDtypeStruct((NC, E, PC), jnp.float32),
)


def _sc_body(nf_hbm, send_hbm, recv_hbm, p_hbm, out_hbm,
             sidx, ridx, gath, pv, acc, sem):
    c = lax.axis_index("c")
    s = lax.axis_index("s")

    def zrow(i, carry):
        for k in range(PC // 8):
            pv[i, pl.ds(k * 8, 8)] = jnp.zeros((8,), jnp.float32)
        return carry

    lax.fori_loop(0, CHUNK, zrow, 0)
    nslab = N // CHUNK

    def zslab(m, carry):
        slab = s + m * NS

        @pl.when(slab < nslab)
        def _():
            pltpu.sync_copy(pv, acc.at[pl.ds(slab * CHUNK, CHUNK)])

        return carry

    lax.fori_loop(0, (nslab + NS - 1) // NS, zslab, 0)

    plsc.subcore_barrier()

    def chunk(t, carry):
        base = pl.multiple_of(s * EPS + t * CHUNK, 8)
        pltpu.sync_copy(send_hbm.at[pl.ds(base, CHUNK)], sidx)
        pltpu.sync_copy(recv_hbm.at[pl.ds(base, CHUNK)], ridx)
        pltpu.async_copy(nf_hbm.at[sidx], gath, sem).wait()
        pltpu.sync_copy(p_hbm.at[c].at[pl.ds(base, CHUNK)], pv)

        coff = c * DH

        def mul(i, carry2):
            for k in range(DH // 16):
                pv[i, pl.ds(k * 16, 16)] = (pv[i, pl.ds(k * 16, 16)]
                                            * gath[i, pl.ds(coff + k * 16, 16)])
            return carry2

        lax.fori_loop(0, CHUNK, mul, 0)
        pltpu.sync_copy(pv, acc.at[ridx], add=True)
        return carry

    lax.fori_loop(0, NCHUNK, chunk, 0)
    plsc.subcore_barrier()

    @pl.when(s == 0)
    def _dump():
        pltpu.sync_copy(acc, out_hbm.at[c])


@functools.lru_cache(maxsize=1)
def _sc_call():
    mesh = plsc.VectorSubcoreMesh(core_axis_name="c", subcore_axis_name="s",
                                  num_cores=NC, num_subcores=NS)
    return pl.kernel(
        _sc_body,
        out_type=jax.ShapeDtypeStruct((NC, N, PC), jnp.float32),
        mesh=mesh,
        scratch_types=[
            pltpu.VMEM((CHUNK,), jnp.int32),
            pltpu.VMEM((CHUNK,), jnp.int32),
            pltpu.VMEM((CHUNK, D), jnp.float32),
            pltpu.VMEM((CHUNK, PC), jnp.float32),
            pltpu.VMEM_SHARED((N, PC), jnp.float32),
            pltpu.SemaphoreType.DMA,
        ],
    )


def _node_body(p_ref, nf_ref, ns_ref, sep_ref, wmsg_ref, wvec_ref,
               wsc_ref, wres_ref, lns_ref, wro_ref, x_ref, ro_ref):
    agg = jnp.concatenate([p_ref[0, :, :DH], p_ref[1, :, :DH]], axis=1)
    HV = VC // NC
    vns = []
    for cc in range(NC):
        vb = p_ref[cc, :, DH:]
        vns.append(jnp.sqrt(vb[:, 0:HV] ** 2 + vb[:, HV:2 * HV] ** 2
                            + vb[:, 2 * HV:3 * HV] ** 2 + 1e-9))
    vn = jnp.concatenate(vns, axis=1)
    x = (jnp.dot(agg, wmsg_ref[...], preferred_element_type=jnp.float32)
         + jnp.dot(vn, wvec_ref[...], preferred_element_type=jnp.float32))
    oh = (ns_ref[...] == lax.broadcasted_iota(jnp.int32, (BN, 16), 1)
          ).astype(jnp.float32)
    sp = jnp.dot(oh, sep_ref[...], preferred_element_type=jnp.float32)
    x = x + jnp.tanh(jnp.dot(sp, wsc_ref[...],
                             preferred_element_type=jnp.float32))
    mu = jnp.mean(x, axis=1, keepdims=True)
    xc = x - mu
    var = jnp.mean(xc * xc, axis=1, keepdims=True)
    xln = xc * lax.rsqrt(var + 1e-6) * lns_ref[...]
    x = xln + jnp.dot(nf_ref[...], wres_ref[...],
                      preferred_element_type=jnp.float32)
    x_ref[...] = x
    ro_ref[...] = jnp.dot(x, wro_ref[...], preferred_element_type=jnp.float32)


_node_call = pl.pallas_call(
    _node_body,
    grid=(N // BN,),
    in_specs=[
        pl.BlockSpec((NC, BN, PC), lambda i: (0, i, 0)),
        pl.BlockSpec((BN, D), lambda i: (i, 0)),
        pl.BlockSpec((BN, 1), lambda i: (i, 0)),
        pl.BlockSpec((16, 64), lambda i: (0, 0)),
        pl.BlockSpec((D, D), lambda i: (0, 0)),
        pl.BlockSpec((VC, D), lambda i: (0, 0)),
        pl.BlockSpec((64, D), lambda i: (0, 0)),
        pl.BlockSpec((D, D), lambda i: (0, 0)),
        pl.BlockSpec((1, D), lambda i: (0, 0)),
        pl.BlockSpec((D, 1), lambda i: (0, 0)),
    ],
    out_specs=[
        pl.BlockSpec((BN, D), lambda i: (i, 0)),
        pl.BlockSpec((BN, 1), lambda i: (i, 0)),
    ],
    out_shape=[
        jax.ShapeDtypeStruct((N, D), jnp.float32),
        jax.ShapeDtypeStruct((N, 1), jnp.float32),
    ],
)


def kernel(vectors, node_feats, node_species, radial_embedding, receivers,
           senders, species_embed, W_r1, W_r2, W_vec, W_msg, W_sc, W_resid,
           ln_scale, W_readout):
    payload = _edge_call(radial_embedding, vectors, W_r1, W_r2)
    out = _sc_call()(node_feats, senders.astype(jnp.int32),
                     receivers.astype(jnp.int32), payload)
    sep = jnp.zeros((16, 64), jnp.float32).at[:10, :].set(species_embed)
    x, ro = _node_call(out, node_feats,
                       node_species.reshape(N, 1).astype(jnp.int32), sep,
                       W_msg, W_vec, W_sc, W_resid,
                       ln_scale.reshape(1, D), W_readout)
    return (x, ro)

# --- scband reference (transcript-rebuilt; emitter-appended) ---
"""Pipeline reference for scband-macelayer-27788438405221 (READ-ONLY COPY).

The authoritative reference and input builder live on the scoring server;
editing this copy changes nothing except your own understanding.
"""

import jax, jax.numpy as jnp
import numpy as np

N = 10000
E = 320000
D = 128
R = 8
S = 10
SE = 64
VC = 16
RO = 1

def setup_inputs(seed: int = 0) -> dict:
    key = jax.random.key(seed)
    ks = jax.random.split(key, 16)
    vectors = jax.random.normal(ks[0], (E, 3), dtype=jnp.float32)
    node_feats = jax.random.normal(ks[1], (N, D), dtype=jnp.float32)
    node_species = jax.random.randint(ks[2], (N,), 0, S)
    radial_embedding = jax.random.normal(ks[3], (E, R), dtype=jnp.float32)
    receivers = jax.random.randint(ks[4], (E,), 0, N)
    senders = jax.random.randint(ks[5], (E,), 0, N)
    species_embed = jax.random.normal(ks[6], (S, SE), dtype=jnp.float32)
    W_r1 = jax.random.normal(ks[7], (R, 64), dtype=jnp.float32) * 0.1
    W_r2 = jax.random.normal(ks[8], (64, D), dtype=jnp.float32) * 0.1
    W_vec = jax.random.normal(ks[9], (VC, D), dtype=jnp.float32) * 0.1
    W_msg = jax.random.normal(ks[10], (D, D), dtype=jnp.float32) * (1.0 / np.sqrt(D))
    W_sc = jax.random.normal(ks[11], (SE, D), dtype=jnp.float32) * (1.0 / np.sqrt(SE))
    W_resid = jax.random.normal(ks[12], (D, D), dtype=jnp.float32) * (1.0 / np.sqrt(D))
    ln_scale = jnp.ones((D,), dtype=jnp.float32)
    W_readout = jax.random.normal(ks[13], (D, RO), dtype=jnp.float32) * (1.0 / np.sqrt(D))
    return {
        'vectors': vectors, 'node_feats': node_feats, 'node_species': node_species,
        'radial_embedding': radial_embedding, 'receivers': receivers, 'senders': senders,
        'species_embed': species_embed, 'W_r1': W_r1, 'W_r2': W_r2, 'W_vec': W_vec,
        'W_msg': W_msg, 'W_sc': W_sc, 'W_resid': W_resid, 'ln_scale': ln_scale,
        'W_readout': W_readout,
    }


def reference(vectors, node_feats, node_species, radial_embedding, receivers, senders,
              species_embed, W_r1, W_r2, W_vec, W_msg, W_sc, W_resid, ln_scale, W_readout):
    # --- SimpleInteraction: radial MLP -> edge weights, gather senders, scatter-add to receivers ---
    r = jnp.linalg.norm(vectors, axis=-1, keepdims=True)
    vhat = vectors / (r + 1e-9)
    edge_w = jax.nn.silu(radial_embedding @ W_r1) @ W_r2          # [E, D]
    msg = jnp.take(node_feats, senders, axis=0) * edge_w           # [E, D]
    agg = jax.ops.segment_sum(msg, receivers, num_segments=N)      # [N, D] scalar channel (l=0)
    # l=1 (vector) channel: outer product with unit edge vectors, reduce to invariant norms
    vec_feat = jax.ops.segment_sum(vhat[:, :, None] * edge_w[:, None, :VC], receivers, num_segments=N)  # [N, 3, VC]
    vec_norm = jnp.sqrt(jnp.sum(vec_feat ** 2, axis=1) + 1e-9)     # [N, VC]
    x = agg @ W_msg + vec_norm @ W_vec                              # [N, D]
    # --- SelfConnectionBlock: species-conditioned update ---
    sp = jnp.take(species_embed, node_species, axis=0)              # [N, SE]
    x = x + jnp.tanh(sp @ W_sc)
    # --- residual branch: E3LayerNorm (scalars) + ResidualAdapter ---
    mu = jnp.mean(x, axis=-1, keepdims=True)
    var = jnp.var(x, axis=-1, keepdims=True)
    x_ln = (x - mu) / jnp.sqrt(var + 1e-6) * ln_scale
    resid = node_feats @ W_resid
    x = x_ln + resid
    # --- readout ---
    readout = x @ W_readout                                         # [N, RO]
    return (x, readout)

if __name__ == "__main__":
    import jax
    _d = setup_inputs()
    print(jax.jit(kernel)(*tuple(_d.values())))

</pallas_src>

<mosaic_0001>
#map = affine_map<(d0, d1) -> (0, 0)>
#map1 = affine_map<(d0, d1) -> (0)>
#map2 = affine_map<(d0, d1) -> (0, 0, 0)>
module attributes {stable_mosaic.version = 14 : i64} {
  func.func @_sc_body(%arg0: i32, %arg1: i32, %arg2: memref<10000x128xf32, #tpu.memory_space<hbm>>, %arg3: memref<320000xi32, #tpu.memory_space<hbm>>, %arg4: memref<320000xi32, #tpu.memory_space<hbm>>, %arg5: memref<2x320000x88xf32, #tpu.memory_space<hbm>>, %arg6: memref<2x10000x88xf32, #tpu.memory_space<hbm>>, %arg7: memref<80xi32, #tpu.memory_space<vmem>>, %arg8: memref<80xi32, #tpu.memory_space<vmem>>, %arg9: memref<80x128xf32, #tpu.memory_space<vmem>>, %arg10: memref<80x88xf32, #tpu.memory_space<vmem>>, %arg11: memref<10000x88xf32, #tpu.memory_space<vmem_shared>>, %arg12: memref<!tpu.dma_semaphore, #tpu.memory_space<semaphore_mem>>) attributes {dimension_semantics = [#tpu.dimension_semantics<core_parallel>, #tpu.dimension_semantics<subcore_parallel>], iteration_bounds = array<i64: 2, 16>, scalar_prefetch = 0 : i64, scratch_operands = 6 : i64, tpu.core_type = #tpu.core_type<sc_vector_subcore>, window_params = [{transform_indices = #map}, {transform_indices = #map1}, {transform_indices = #map1}, {transform_indices = #map2}, {transform_indices = #map2}]} {
    %scan3A = arith.constant 0 : i32
    %scan3A_0 = arith.constant 0 : i32
    %scan3A_1 = arith.constant 80 : i32
    %scan3A_2 = arith.addi %scan3A_0, %scan3A_1 : i32
    %scan3A_3 = arith.constant 1 : i32
    scf.for %scan3A_20 = %scan3A_0 to %scan3A_2 step %scan3A_3  : i32 {
      %broadcast_in_dim3A = arith.constant 0.000000e+00 : f32
      %broadcast_in_dim3A_21 = vector.broadcast %broadcast_in_dim3A : f32 to vector<8xf32>
      %swap3A = arith.index_cast %scan3A_20 : i32 to index
      %swap3A_22 = arith.constant 0 : index
      %swap3A_23 = tpu.vector_load %arg10[%swap3A, %swap3A_22] {strides = array<i32>} : memref<80x88xf32, #tpu.memory_space<vmem>>, vector<1x8xf32>,
      %swap3A_24 = vector.shape_cast %swap3A_23 : vector<1x8xf32> to vector<8xf32>
      %swap3A_25 = vector.shape_cast %broadcast_in_dim3A_21 : vector<8xf32> to vector<1x8xf32>
      tpu.vector_store %arg10[%swap3A, %swap3A_22], %swap3A_25 {strides = array<i32>} : memref<80x88xf32, #tpu.memory_space<vmem>>, vector<1x8xf32>,
      %broadcast_in_dim3A_26 = arith.constant 0.000000e+00 : f32
      %broadcast_in_dim3A_27 = vector.broadcast %broadcast_in_dim3A_26 : f32 to vector<8xf32>
      %swap3A_28 = arith.index_cast %scan3A_20 : i32 to index
      %swap3A_29 = arith.constant 8 : index
      %swap3A_30 = tpu.vector_load %arg10[%swap3A_28, %swap3A_29] {strides = array<i32>} : memref<80x88xf32, #tpu.memory_space<vmem>>, vector<1x8xf32>,
      %swap3A_31 = vector.shape_cast %swap3A_30 : vector<1x8xf32> to vector<8xf32>
      %swap3A_32 = vector.shape_cast %broadcast_in_dim3A_27 : vector<8xf32> to vector<1x8xf32>
      tpu.vector_store %arg10[%swap3A_28, %swap3A_29], %swap3A_32 {strides = array<i32>} : memref<80x88xf32, #tpu.memory_space<vmem>>, vector<1x8xf32>,
      %broadcast_in_dim3A_33 = arith.constant 0.000000e+00 : f32
      %broadcast_in_dim3A_34 = vector.broadcast %broadcast_in_dim3A_33 : f32 to vector<8xf32>
      %swap3A_35 = arith.index_cast %scan3A_20 : i32 to index
      %swap3A_36 = arith.constant 16 : index
      %swap3A_37 = tpu.vector_load %arg10[%swap3A_35, %swap3A_36] {strides = array<i32>} : memref<80x88xf32, #tpu.memory_space<vmem>>, vector<1x8xf32>,
      %swap3A_38 = vector.shape_cast %swap3A_37 : vector<1x8xf32> to vector<8xf32>
      %swap3A_39 = vector.shape_cast %broadcast_in_dim3A_34 : vector<8xf32> to vector<1x8xf32>
      tpu.vector_store %arg10[%swap3A_35, %swap3A_36], %swap3A_39 {strides = array<i32>} : memref<80x88xf32, #tpu.memory_space<vmem>>, vector<1x8xf32>,
      %broadcast_in_dim3A_40 = arith.constant 0.000000e+00 : f32
      %broadcast_in_dim3A_41 = vector.broadcast %broadcast_in_dim3A_40 : f32 to vector<8xf32>
      %swap3A_42 = arith.index_cast %scan3A_20 : i32 to index
      %swap3A_43 = arith.constant 24 : index
      %swap3A_44 = tpu.vector_load %arg10[%swap3A_42, %swap3A_43] {strides = array<i32>} : memref<80x88xf32, #tpu.memory_space<vmem>>, vector<1x8xf32>,
      %swap3A_45 = vector.shape_cast %swap3A_44 : vector<1x8xf32> to vector<8xf32>
      %swap3A_46 = vector.shape_cast %broadcast_in_dim3A_41 : vector<8xf32> to vector<1x8xf32>
      tpu.vector_store %arg10[%swap3A_42, %swap3A_43], %swap3A_46 {strides = array<i32>} : memref<80x88xf32, #tpu.memory_space<vmem>>, vector<1x8xf32>,
      %broadcast_in_dim3A_47 = arith.constant 0.000000e+00 : f32
      %broadcast_in_dim3A_48 = vector.broadcast %broadcast_in_dim3A_47 : f32 to vector<8xf32>
      %swap3A_49 = arith.index_cast %scan3A_20 : i32 to index
      %swap3A_50 = arith.constant 32 : index
      %swap3A_51 = tpu.vector_load %arg10[%swap3A_49, %swap3A_50] {strides = array<i32>} : memref<80x88xf32, #tpu.memory_space<vmem>>, vector<1x8xf32>,
      %swap3A_52 = vector.shape_cast %swap3A_51 : vector<1x8xf32> to vector<8xf32>
      %swap3A_53 = vector.shape_cast %broadcast_in_dim3A_48 : vector<8xf32> to vector<1x8xf32>
      tpu.vector_store %arg10[%swap3A_49, %swap3A_50], %swap3A_53 {strides = array<i32>} : memref<80x88xf32, #tpu.memory_space<vmem>>, vector<1x8xf32>,
      %broadcast_in_dim3A_54 = arith.constant 0.000000e+00 : f32
      %broadcast_in_dim3A_55 = vector.broadcast %broadcast_in_dim3A_54 : f32 to vector<8xf32>
      %swap3A_56 = arith.index_cast %scan3A_20 : i32 to index
      %swap3A_57 = arith.constant 40 : index
      %swap3A_58 = tpu.vector_load %arg10[%swap3A_56, %swap3A_57] {strides = array<i32>} : memref<80x88xf32, #tpu.memory_space<vmem>>, vector<1x8xf32>,
      %swap3A_59 = vector.shape_cast %swap3A_58 : vector<1x8xf32> to vector<8xf32>
      %swap3A_60 = vector.shape_cast %broadcast_in_dim3A_55 : vector<8xf32> to vector<1x8xf32>
      tpu.vector_store %arg10[%swap3A_56, %swap3A_57], %swap3A_60 {strides = array<i32>} : memref<80x88xf32, #tpu.memory_space<vmem>>, vector<1x8xf32>,
      %broadcast_in_dim3A_61 = arith.constant 0.000000e+00 : f32
      %broadcast_in_dim3A_62 = vector.broadcast %broadcast_in_dim3A_61 : f32 to vector<8xf32>
      %swap3A_63 = arith.index_cast %scan3A_20 : i32 to index
      %swap3A_64 = arith.constant 48 : index
      %swap3A_65 = tpu.vector_load %arg10[%swap3A_63, %swap3A_64] {strides = array<i32>} : memref<80x88xf32, #tpu.memory_space<vmem>>, vector<1x8xf32>,
      %swap3A_66 = vector.shape_cast %swap3A_65 : vector<1x8xf32> to vector<8xf32>
      %swap3A_67 = vector.shape_cast %broadcast_in_dim3A_62 : vector<8xf32> to vector<1x8xf32>
      tpu.vector_store %arg10[%swap3A_63, %swap3A_64], %swap3A_67 {strides = array<i32>} : memref<80x88xf32, #tpu.memory_space<vmem>>, vector<1x8xf32>,
      %broadcast_in_dim3A_68 = arith.constant 0.000000e+00 : f32
      %broadcast_in_dim3A_69 = vector.broadcast %broadcast_in_dim3A_68 : f32 to vector<8xf32>
      %swap3A_70 = arith.index_cast %scan3A_20 : i32 to index
      %swap3A_71 = arith.constant 56 : index
      %swap3A_72 = tpu.vector_load %arg10[%swap3A_70, %swap3A_71] {strides = array<i32>} : memref<80x88xf32, #tpu.memory_space<vmem>>, vector<1x8xf32>,
      %swap3A_73 = vector.shape_cast %swap3A_72 : vector<1x8xf32> to vector<8xf32>
      %swap3A_74 = vector.shape_cast %broadcast_in_dim3A_69 : vector<8xf32> to vector<1x8xf32>
      tpu.vector_store %arg10[%swap3A_70, %swap3A_71], %swap3A_74 {strides = array<i32>} : memref<80x88xf32, #tpu.memory_space<vmem>>, vector<1x8xf32>,
      %broadcast_in_dim3A_75 = arith.constant 0.000000e+00 : f32
      %broadcast_in_dim3A_76 = vector.broadcast %broadcast_in_dim3A_75 : f32 to vector<8xf32>
      %swap3A_77 = arith.index_cast %scan3A_20 : i32 to index
      %swap3A_78 = arith.constant 64 : index
      %swap3A_79 = tpu.vector_load %arg10[%swap3A_77, %swap3A_78] {strides = array<i32>} : memref<80x88xf32, #tpu.memory_space<vmem>>, vector<1x8xf32>,
      %swap3A_80 = vector.shape_cast %swap3A_79 : vector<1x8xf32> to vector<8xf32>
      %swap3A_81 = vector.shape_cast %broadcast_in_dim3A_76 : vector<8xf32> to vector<1x8xf32>
      tpu.vector_store %arg10[%swap3A_77, %swap3A_78], %swap3A_81 {strides = array<i32>} : memref<80x88xf32, #tpu.memory_space<vmem>>, vector<1x8xf32>,
      %broadcast_in_dim3A_82 = arith.constant 0.000000e+00 : f32
      %broadcast_in_dim3A_83 = vector.broadcast %broadcast_in_dim3A_82 : f32 to vector<8xf32>
      %swap3A_84 = arith.index_cast %scan3A_20 : i32 to index
      %swap3A_85 = arith.constant 72 : index
      %swap3A_86 = tpu.vector_load %arg10[%swap3A_84, %swap3A_85] {strides = array<i32>} : memref<80x88xf32, #tpu.memory_space<vmem>>, vector<1x8xf32>,
      %swap3A_87 = vector.shape_cast %swap3A_86 : vector<1x8xf32> to vector<8xf32>
      %swap3A_88 = vector.shape_cast %broadcast_in_dim3A_83 : vector<8xf32> to vector<1x8xf32>
      tpu.vector_store %arg10[%swap3A_84, %swap3A_85], %swap3A_88 {strides = array<i32>} : memref<80x88xf32, #tpu.memory_space<vmem>>, vector<1x8xf32>,
      %broadcast_in_dim3A_89 = arith.constant 0.000000e+00 : f32
      %broadcast_in_dim3A_90 = vector.broadcast %broadcast_in_dim3A_89 : f32 to vector<8xf32>
      %swap3A_91 = arith.index_cast %scan3A_20 : i32 to index
      %swap3A_92 = arith.constant 80 : index
      %swap3A_93 = tpu.vector_load %arg10[%swap3A_91, %swap3A_92] {strides = array<i32>} : memref<80x88xf32, #tpu.memory_space<vmem>>, vector<1x8xf32>,
      %swap3A_94 = vector.shape_cast %swap3A_93 : vector<1x8xf32> to vector<8xf32>
      %swap3A_95 = vector.shape_cast %broadcast_in_dim3A_90 : vector<8xf32> to vector<1x8xf32>
      tpu.vector_store %arg10[%swap3A_91, %swap3A_92], %swap3A_95 {strides = array<i32>} : memref<80x88xf32, #tpu.memory_space<vmem>>, vector<1x8xf32>,
    }
    %scan3A_4 = arith.constant 80 : i32
    %scan3A_5 = arith.constant 0 : i32
    %scan3A_6 = arith.constant 0 : i32
    %scan3A_7 = arith.constant 8 : i32
    %scan3A_8 = arith.addi %scan3A_6, %scan3A_7 : i32
    %scan3A_9 = arith.constant 1 : i32
    scf.for %scan3A_20 = %scan3A_6 to %scan3A_8 step %scan3A_9  : i32 {
      %mul3A = arith.constant 16 : i32
      %mul3A_21 = arith.muli %scan3A_20, %mul3A : i32
      %add3A = arith.addi %arg1, %mul3A_21 : i32
      %lt3A = arith.constant 125 : i32
      %lt3A_22 = arith.cmpi slt, %add3A, %lt3A : i32
      %convert_element_type3A_23 = arith.extui %lt3A_22 : i1 to i32
      %cond3A_24 = arith.constant 0 : i32
      %cond3A_25 = arith.cmpi ne, %convert_element_type3A_23, %cond3A_24 : i32
      scf.if %cond3A_25 {
        %mul3A_26 = arith.constant 80 : i32
        %mul3A_27 = arith.muli %add3A, %mul3A_26 : i32
        "tpu.region"() ({
          %run_scoped3A = tpu.sem_alloc : memref<!tpu.dma_semaphore, #tpu.memory_space<semaphore_mem>>
          %dma_start3A = arith.constant 0 : i32
          %dma_start3A_28 = tpu.memref_slice %arg11[%mul3A_27, %dma_start3A] : memref<10000x88xf32, #tpu.memory_space<vmem_shared>> -> memref<80x88xf32, #tpu.memory_space<vmem_shared>>
          %dma_start3A_29 = arith.constant 0 : i32
          %dma_start3A_30 = tpu.memref_slice %arg11[%mul3A_27, %dma_start3A_29] : memref<10000x88xf32, #tpu.memory_space<vmem_shared>> -> memref<80x88xf32, #tpu.memory_space<vmem_shared>>
          tpu.enqueue_dma source(%arg10 : memref<80x88xf32, #tpu.memory_space<vmem>>) target(%dma_start3A_30 : memref<80x88xf32, #tpu.memory_space<vmem_shared>>) target_semaphore(%run_scoped3A : memref<!tpu.dma_semaphore, #tpu.memory_space<semaphore_mem>>)
          %dma_wait3A = arith.constant 0 : i32
          %dma_wait3A_31 = tpu.memref_slice %arg11[%mul3A_27, %dma_wait3A] : memref<10000x88xf32, #tpu.memory_space<vmem_shared>> -> memref<80x88xf32, #tpu.memory_space<vmem_shared>>
          %dma_wait3A_32 = arith.constant 0 : i32
          %dma_wait3A_33 = tpu.memref_slice %arg11[%mul3A_27, %dma_wait3A_32] : memref<10000x88xf32, #tpu.memory_space<vmem_shared>> -> memref<80x88xf32, #tpu.memory_space<vmem_shared>>
          tpu.wait_dma2 semaphore(%run_scoped3A : memref<!tpu.dma_semaphore, #tpu.memory_space<semaphore_mem>>) src(%arg10 : memref<80x88xf32, #tpu.memory_space<vmem>>) dst(%dma_wait3A_33 : memref<80x88xf32, #tpu.memory_space<vmem_shared>>)
          tpu.yield
        }) : () -> ()
      } else {
      }
    }
    %scan3A_10 = arith.constant 8 : i32
    %barrier3A = arith.constant 0 : index
    tpu.barrier barrier_id(%barrier3A)
    %scan3A_11 = arith.constant 0 : i32
    %scan3A_12 = arith.constant 0 : i32
    %scan3A_13 = arith.constant 250 : i32
    %scan3A_14 = arith.addi %scan3A_12, %scan3A_13 : i32
    %scan3A_15 = arith.constant 1 : i32
    scf.for %scan3A_20 = %scan3A_12 to %scan3A_14 step %scan3A_15  : i32 {
      %mul3A = arith.constant 20000 : i32
      %mul3A_21 = arith.muli %arg1, %mul3A : i32
      %mul3A_22 = arith.constant 80 : i32
      %mul3A_23 = arith.muli %scan3A_20, %mul3A_22 : i32
      %add3A = arith.addi %mul3A_21, %mul3A_23 : i32
      %multiple_of3A = tpu.assume_multiple %add3A, 8 : i32
      "tpu.region"() ({
        %run_scoped3A = tpu.sem_alloc : memref<!tpu.dma_semaphore, #tpu.memory_space<semaphore_mem>>
        %dma_start3A_36 = tpu.memref_slice %arg3[%multiple_of3A] : memref<320000xi32, #tpu.memory_space<hbm>> -> memref<80xi32, #tpu.memory_space<hbm>>
        %dma_start3A_37 = tpu.memref_slice %arg3[%multiple_of3A] : memref<320000xi32, #tpu.memory_space<hbm>> -> memref<80xi32, #tpu.memory_space<hbm>>
        tpu.enqueue_dma source(%dma_start3A_37 : memref<80xi32, #tpu.memory_space<hbm>>) target(%arg7 : memref<80xi32, #tpu.memory_space<vmem>>) target_semaphore(%run_scoped3A : memref<!tpu.dma_semaphore, #tpu.memory_space<semaphore_mem>>)
        %dma_wait3A_38 = tpu.memref_slice %arg3[%multiple_of3A] : memref<320000xi32, #tpu.memory_space<hbm>> -> memref<80xi32, #tpu.memory_space<hbm>>
        %dma_wait3A_39 = tpu.memref_slice %arg3[%multiple_of3A] : memref<320000xi32, #tpu.memory_space<hbm>> -> memref<80xi32, #tpu.memory_space<hbm>>
        tpu.wait_dma2 semaphore(%run_scoped3A : memref<!tpu.dma_semaphore, #tpu.memory_space<semaphore_mem>>) src(%dma_wait3A_39 : memref<80xi32, #tpu.memory_space<hbm>>) dst(%arg7 : memref<80xi32, #tpu.memory_space<vmem>>)
        tpu.yield
      }) : () -> ()
      "tpu.region"() ({
        %run_scoped3A = tpu.sem_alloc : memref<!tpu.dma_semaphore, #tpu.memory_space<semaphore_mem>>
        %dma_start3A_36 = tpu.memref_slice %arg4[%multiple_of3A] : memref<320000xi32, #tpu.memory_space<hbm>> -> memref<80xi32, #tpu.memory_space<hbm>>
        %dma_start3A_37 = tpu.memref_slice %arg4[%multiple_of3A] : memref<320000xi32, #tpu.memory_space<hbm>> -> memref<80xi32, #tpu.memory_space<hbm>>
        tpu.enqueue_dma source(%dma_start3A_37 : memref<80xi32, #tpu.memory_space<hbm>>) target(%arg8 : memref<80xi32, #tpu.memory_space<vmem>>) target_semaphore(%run_scoped3A : memref<!tpu.dma_semaphore, #tpu.memory_space<semaphore_mem>>)
        %dma_wait3A_38 = tpu.memref_slice %arg4[%multiple_of3A] : memref<320000xi32, #tpu.memory_space<hbm>> -> memref<80xi32, #tpu.memory_space<hbm>>
        %dma_wait3A_39 = tpu.memref_slice %arg4[%multiple_of3A] : memref<320000xi32, #tpu.memory_space<hbm>> -> memref<80xi32, #tpu.memory_space<hbm>>
        tpu.wait_dma2 semaphore(%run_scoped3A : memref<!tpu.dma_semaphore, #tpu.memory_space<semaphore_mem>>) src(%dma_wait3A_39 : memref<80xi32, #tpu.memory_space<hbm>>) dst(%arg8 : memref<80xi32, #tpu.memory_space<vmem>>)
        tpu.yield
      }) : () -> ()
      %dma_start3A = arith.constant 0 : i32
      %dma_start3A_24 = arith.constant 0 : i32
      %dma_start3A_25 = tpu.memref_slice %arg2[%dma_start3A, %dma_start3A_24] : memref<10000x128xf32, #tpu.memory_space<hbm>> -> memref<10000x128xf32, #tpu.memory_space<hbm>>
      tpu.enqueue_indirect_dma source(%dma_start3A_25 : memref<10000x128xf32, #tpu.memory_space<hbm>>) target(%arg9 : memref<80x128xf32, #tpu.memory_space<vmem>>) offsets(%arg7 : memref<80xi32, #tpu.memory_space<vmem>>) semaphore(%arg12 : memref<!tpu.dma_semaphore, #tpu.memory_space<semaphore_mem>>)
      %dma_wait3A = arith.constant 0 : i32
      %dma_wait3A_26 = arith.constant 0 : i32
      %dma_wait3A_27 = tpu.memref_slice %arg2[%dma_wait3A, %dma_wait3A_26] : memref<10000x128xf32, #tpu.memory_space<hbm>> -> memref<10000x128xf32, #tpu.memory_space<hbm>>
      tpu.wait_indirect_dma semaphore(%arg12 : memref<!tpu.dma_semaphore, #tpu.memory_space<semaphore_mem>>) src(%dma_wait3A_27 : memref<10000x128xf32, #tpu.memory_space<hbm>>) dst(%arg9 : memref<80x128xf32, #tpu.memory_space<vmem>>)
      "tpu.region"() ({
        %run_scoped3A = tpu.sem_alloc : memref<!tpu.dma_semaphore, #tpu.memory_space<semaphore_mem>>
        %dma_start3A_36 = arith.constant 0 : i32
        %dma_start3A_37 = arith.constant 0 : i32
        %dma_start3A_38 = tpu.memref_slice %arg5[%arg0, %dma_start3A_36, %dma_start3A_37] : memref<2x320000x88xf32, #tpu.memory_space<hbm>> -> memref<1x320000x88xf32, #tpu.memory_space<hbm>>
        %dma_start3A_39 = tpu.memref_squeeze %dma_start3A_38 : memref<1x320000x88xf32, #tpu.memory_space<hbm>> -> memref<320000x88xf32, #tpu.memory_space<hbm>>
        %dma_start3A_40 = arith.constant 0 : i32
        %dma_start3A_41 = tpu.memref_slice %dma_start3A_39[%multiple_of3A, %dma_start3A_40] : memref<320000x88xf32, #tpu.memory_space<hbm>> -> memref<80x88xf32, #tpu.memory_space<hbm>>
        %dma_start3A_42 = arith.constant 0 : i32
        %dma_start3A_43 = arith.constant 0 : i32
        %dma_start3A_44 = tpu.memref_slice %arg5[%arg0, %dma_start3A_42, %dma_start3A_43] : memref<2x320000x88xf32, #tpu.memory_space<hbm>> -> memref<1x320000x88xf32, #tpu.memory_space<hbm>>
        %dma_start3A_45 = tpu.memref_squeeze %dma_start3A_44 : memref<1x320000x88xf32, #tpu.memory_space<hbm>> -> memref<320000x88xf32, #tpu.memory_space<hbm>>
        %dma_start3A_46 = arith.constant 0 : i32
        %dma_start3A_47 = tpu.memref_slice %dma_start3A_45[%multiple_of3A, %dma_start3A_46] : memref<320000x88xf32, #tpu.memory_space<hbm>> -> memref<80x88xf32, #tpu.memory_space<hbm>>
        tpu.enqueue_dma source(%dma_start3A_47 : memref<80x88xf32, #tpu.memory_space<hbm>>) target(%arg10 : memref<80x88xf32, #tpu.memory_space<vmem>>) target_semaphore(%run_scoped3A : memref<!tpu.dma_semaphore, #tpu.memory_space<semaphore_mem>>)
        %dma_wait3A_48 = arith.constant 0 : i32
        %dma_wait3A_49 = arith.constant 0 : i32
        %dma_wait3A_50 = tpu.memref_slice %arg5[%arg0, %dma_wait3A_48, %dma_wait3A_49] : memref<2x320000x88xf32, #tpu.memory_space<hbm>> -> memref<1x320000x88xf32, #tpu.memory_space<hbm>>
        %dma_wait3A_51 = tpu.memref_squeeze %dma_wait3A_50 : memref<1x320000x88xf32, #tpu.memory_space<hbm>> -> memref<320000x88xf32, #tpu.memory_space<hbm>>
        %dma_wait3A_52 = arith.constant 0 : i32
        %dma_wait3A_53 = tpu.memref_slice %dma_wait3A_51[%multiple_of3A, %dma_wait3A_52] : memref<320000x88xf32, #tpu.memory_space<hbm>> -> memref<80x88xf32, #tpu.memory_space<hbm>>
        %dma_wait3A_54 = arith.constant 0 : i32
        %dma_wait3A_55 = arith.constant 0 : i32
        %dma_wait3A_56 = tpu.memref_slice %arg5[%arg0, %dma_wait3A_54, %dma_wait3A_55] : memref<2x320000x88xf32, #tpu.memory_space<hbm>> -> memref<1x320000x88xf32, #tpu.memory_space<hbm>>
        %dma_wait3A_57 = tpu.memref_squeeze %dma_wait3A_56 : memref<1x320000x88xf32, #tpu.memory_space<hbm>> -> memref<320000x88xf32, #tpu.memory_space<hbm>>
        %dma_wait3A_58 = arith.constant 0 : i32
        %dma_wait3A_59 = tpu.memref_slice %dma_wait3A_57[%multiple_of3A, %dma_wait3A_58] : memref<320000x88xf32, #tpu.memory_space<hbm>> -> memref<80x88xf32, #tpu.memory_space<hbm>>
        tpu.wait_dma2 semaphore(%run_scoped3A : memref<!tpu.dma_semaphore, #tpu.memory_space<semaphore_mem>>) src(%dma_wait3A_59 : memref<80x88xf32, #tpu.memory_space<hbm>>) dst(%arg10 : memref<80x88xf32, #tpu.memory_space<vmem>>)
        tpu.yield
      }) : () -> ()
      %mul3A_28 = arith.constant 64 : i32
      %mul3A_29 = arith.muli %arg0, %mul3A_28 : i32
      %scan3A_30 = arith.constant 0 : i32
      %scan3A_31 = arith.constant 0 : i32
      %scan3A_32 = arith.constant 80 : i32
      %scan3A_33 = arith.addi %scan3A_31, %scan3A_32 : i32
      %scan3A_34 = arith.constant 1 : i32
      scf.for %scan3A_36 = %scan3A_31 to %scan3A_33 step %scan3A_34  : i32 {
        %get3A = arith.index_cast %scan3A_36 : i32 to index
        %get3A_37 = arith.constant 0 : index
        %get3A_38 = tpu.vector_load %arg10[%get3A, %get3A_37] {strides = array<i32>} : memref<80x88xf32, #tpu.memory_space<vmem>>, vector<1x16xf32>,
        %get3A_39 = vector.shape_cast %get3A_38 : vector<1x16xf32> to vector<16xf32>
        %add3A_40 = arith.constant 0 : i32
        %add3A_41 = arith.addi %mul3A_29, %add3A_40 : i32
        %get3A_42 = arith.index_cast %scan3A_36 : i32 to index
        %get3A_43 = arith.index_cast %add3A_41 : i32 to index
        %get3A_44 = tpu.vector_load %arg9[%get3A_42, %get3A_43] {strides = array<i32>} : memref<80x128xf32, #tpu.memory_space<vmem>>, vector<1x16xf32>,
        %get3A_45 = vector.shape_cast %get3A_44 : vector<1x16xf32> to vector<16xf32>
        %mul3A_46 = arith.mulf %get3A_39, %get3A_45 : vector<16xf32>
        %swap3A = arith.index_cast %scan3A_36 : i32 to index
        %swap3A_47 = arith.constant 0 : index
        %swap3A_48 = tpu.vector_load %arg10[%swap3A, %swap3A_47] {strides = array<i32>} : memref<80x88xf32, #tpu.memory_space<vmem>>, vector<1x16xf32>,
        %swap3A_49 = vector.shape_cast %swap3A_48 : vector<1x16xf32> to vector<16xf32>
        %swap3A_50 = vector.shape_cast %mul3A_46 : vector<16xf32> to vector<1x16xf32>
        tpu.vector_store %arg10[%swap3A, %swap3A_47], %swap3A_50 {strides = array<i32>} : memref<80x88xf32, #tpu.memory_space<vmem>>, vector<1x16xf32>,
        %get3A_51 = arith.index_cast %scan3A_36 : i32 to index
        %get3A_52 = arith.constant 16 : index
        %get3A_53 = tpu.vector_load %arg10[%get3A_51, %get3A_52] {strides = array<i32>} : memref<80x88xf32, #tpu.memory_space<vmem>>, vector<1x16xf32>,
        %get3A_54 = vector.shape_cast %get3A_53 : vector<1x16xf32> to vector<16xf32>
        %add3A_55 = arith.constant 16 : i32
        %add3A_56 = arith.addi %mul3A_29, %add3A_55 : i32
        %get3A_57 = arith.index_cast %scan3A_36 : i32 to index
        %get3A_58 = arith.index_cast %add3A_56 : i32 to index
        %get3A_59 = tpu.vector_load %arg9[%get3A_57, %get3A_58] {strides = array<i32>} : memref<80x128xf32, #tpu.memory_space<vmem>>, vector<1x16xf32>,
        %get3A_60 = vector.shape_cast %get3A_59 : vector<1x16xf32> to vector<16xf32>
        %mul3A_61 = arith.mulf %get3A_54, %get3A_60 : vector<16xf32>
        %swap3A_62 = arith.index_cast %scan3A_36 : i32 to index
        %swap3A_63 = arith.constant 16 : index
        %swap3A_64 = tpu.vector_load %arg10[%swap3A_62, %swap3A_63] {strides = array<i32>} : memref<80x88xf32, #tpu.memory_space<vmem>>, vector<1x16xf32>,
        %swap3A_65 = vector.shape_cast %swap3A_64 : vector<1x16xf32> to vector<16xf32>
        %swap3A_66 = vector.shape_cast %mul3A_61 : vector<16xf32> to vector<1x16xf32>
        tpu.vector_store %arg10[%swap3A_62, %swap3A_63], %swap3A_66 {strides = array<i32>} : memref<80x88xf32, #tpu.memory_space<vmem>>, vector<1x16xf32>,
        %get3A_67 = arith.index_cast %scan3A_36 : i32 to index
        %get3A_68 = arith.constant 32 : index
        %get3A_69 = tpu.vector_load %arg10[%get3A_67, %get3A_68] {strides = array<i32>} : memref<80x88xf32, #tpu.memory_space<vmem>>, vector<1x16xf32>,
        %get3A_70 = vector.shape_cast %get3A_69 : vector<1x16xf32> to vector<16xf32>
        %add3A_71 = arith.constant 32 : i32
        %add3A_72 = arith.addi %mul3A_29, %add3A_71 : i32
        %get3A_73 = arith.index_cast %scan3A_36 : i32 to index
        %get3A_74 = arith.index_cast %add3A_72 : i32 to index
        %get3A_75 = tpu.vector_load %arg9[%get3A_73, %get3A_74] {strides = array<i32>} : memref<80x128xf32, #tpu.memory_space<vmem>>, vector<1x16xf32>,
        %get3A_76 = vector.shape_cast %get3A_75 : vector<1x16xf32> to vector<16xf32>
        %mul3A_77 = arith.mulf %get3A_70, %get3A_76 : vector<16xf32>
        %swap3A_78 = arith.index_cast %scan3A_36 : i32 to index
        %swap3A_79 = arith.constant 32 : index
        %swap3A_80 = tpu.vector_load %arg10[%swap3A_78, %swap3A_79] {strides = array<i32>} : memref<80x88xf32, #tpu.memory_space<vmem>>, vector<1x16xf32>,
        %swap3A_81 = vector.shape_cast %swap3A_80 : vector<1x16xf32> to vector<16xf32>
        %swap3A_82 = vector.shape_cast %mul3A_77 : vector<16xf32> to vector<1x16xf32>
        tpu.vector_store %arg10[%swap3A_78, %swap3A_79], %swap3A_82 {strides = array<i32>} : memref<80x88xf32, #tpu.memory_space<vmem>>, vector<1x16xf32>,
        %get3A_83 = arith.index_cast %scan3A_36 : i32 to index
        %get3A_84 = arith.constant 48 : index
        %get3A_85 = tpu.vector_load %arg10[%get3A_83, %get3A_84] {strides = array<i32>} : memref<80x88xf32, #tpu.memory_space<vmem>>, vector<1x16xf32>,
        %get3A_86 = vector.shape_cast %get3A_85 : vector<1x16xf32> to vector<16xf32>
        %add3A_87 = arith.constant 48 : i32
        %add3A_88 = arith.addi %mul3A_29, %add3A_87 : i32
        %get3A_89 = arith.index_cast %scan3A_36 : i32 to index
        %get3A_90 = arith.index_cast %add3A_88 : i32 to index
        %get3A_91 = tpu.vector_load %arg9[%get3A_89, %get3A_90] {strides = array<i32>} : memref<80x128xf32, #tpu.memory_space<vmem>>, vector<1x16xf32>,
        %get3A_92 = vector.shape_cast %get3A_91 : vector<1x16xf32> to vector<16xf32>
        %mul3A_93 = arith.mulf %get3A_86, %get3A_92 : vector<16xf32>
        %swap3A_94 = arith.index_cast %scan3A_36 : i32 to index
        %swap3A_95 = arith.constant 48 : index
        %swap3A_96 = tpu.vector_load %arg10[%swap3A_94, %swap3A_95] {strides = array<i32>} : memref<80x88xf32, #tpu.memory_space<vmem>>, vector<1x16xf32>,
        %swap3A_97 = vector.shape_cast %swap3A_96 : vector<1x16xf32> to vector<16xf32>
        %swap3A_98 = vector.shape_cast %mul3A_93 : vector<16xf32> to vector<1x16xf32>
        tpu.vector_store %arg10[%swap3A_94, %swap3A_95], %swap3A_98 {strides = array<i32>} : memref<80x88xf32, #tpu.memory_space<vmem>>, vector<1x16xf32>,
      }
      %scan3A_35 = arith.constant 80 : i32
      "tpu.region"() ({
        %run_scoped3A = tpu.sem_alloc : memref<!tpu.dma_semaphore, #tpu.memory_space<semaphore_mem>>
        %dma_start3A_36 = arith.constant 0 : i32
        %dma_start3A_37 = arith.constant 0 : i32
        %dma_start3A_38 = tpu.memref_slice %arg11[%dma_start3A_36, %dma_start3A_37] : memref<10000x88xf32, #tpu.memory_space<vmem_shared>> -> memref<10000x88xf32, #tpu.memory_space<vmem_shared>>
        tpu.enqueue_indirect_dma source(%arg10 : memref<80x88xf32, #tpu.memory_space<vmem>>) target(%dma_start3A_38 : memref<10000x88xf32, #tpu.memory_space<vmem_shared>>) offsets(%arg8 : memref<80xi32, #tpu.memory_space<vmem>>) semaphore(%run_scoped3A : memref<!tpu.dma_semaphore, #tpu.memory_space<semaphore_mem>>) {add = true}
        %dma_wait3A_39 = arith.constant 0 : i32
        %dma_wait3A_40 = arith.constant 0 : i32
        %dma_wait3A_41 = tpu.memref_slice %arg11[%dma_wait3A_39, %dma_wait3A_40] : memref<10000x88xf32, #tpu.memory_space<vmem_shared>> -> memref<10000x88xf32, #tpu.memory_space<vmem_shared>>
        tpu.wait_indirect_dma semaphore(%run_scoped3A : memref<!tpu.dma_semaphore, #tpu.memory_space<semaphore_mem>>) src(%arg10 : memref<80x88xf32, #tpu.memory_space<vmem>>) dst(%dma_wait3A_41 : memref<10000x88xf32, #tpu.memory_space<vmem_shared>>)
        tpu.yield
      }) : () -> ()
    }
    %scan3A_16 = arith.constant 250 : i32
    %barrier3A_17 = arith.constant 0 : index
    tpu.barrier barrier_id(%barrier3A_17)
    %eq3A = arith.constant 0 : i32
    %eq3A_18 = arith.cmpi eq, %arg1, %eq3A : i32
    %convert_element_type3A = arith.extui %eq3A_18 : i1 to i32
    %cond3A = arith.constant 0 : i32
    %cond3A_19 = arith.cmpi ne, %convert_element_type3A, %cond3A : i32
    scf.if %cond3A_19 {
      "tpu.region"() ({
        %run_scoped3A = tpu.sem_alloc : memref<!tpu.dma_semaphore, #tpu.memory_space<semaphore_mem>>
        %dma_start3A = arith.constant 0 : i32
        %dma_start3A_20 = arith.constant 0 : i32
        %dma_start3A_21 = tpu.memref_slice %arg6[%arg0, %dma_start3A, %dma_start3A_20] : memref<2x10000x88xf32, #tpu.memory_space<hbm>> -> memref<1x10000x88xf32, #tpu.memory_space<hbm>>
        %dma_start3A_22 = tpu.memref_squeeze %dma_start3A_21 : memref<1x10000x88xf32, #tpu.memory_space<hbm>> -> memref<10000x88xf32, #tpu.memory_space<hbm>>
        tpu.enqueue_dma source(%arg11 : memref<10000x88xf32, #tpu.memory_space<vmem_shared>>) target(%dma_start3A_22 : memref<10000x88xf32, #tpu.memory_space<hbm>>) target_semaphore(%run_scoped3A : memref<!tpu.dma_semaphore, #tpu.memory_space<semaphore_mem>>)
        %dma_wait3A = arith.constant 0 : i32
        %dma_wait3A_23 = arith.constant 0 : i32
        %dma_wait3A_24 = tpu.memref_slice %arg6[%arg0, %dma_wait3A, %dma_wait3A_23] : memref<2x10000x88xf32, #tpu.memory_space<hbm>> -> memref<1x10000x88xf32, #tpu.memory_space<hbm>>
        %dma_wait3A_25 = tpu.memref_squeeze %dma_wait3A_24 : memref<1x10000x88xf32, #tpu.memory_space<hbm>> -> memref<10000x88xf32, #tpu.memory_space<hbm>>
        tpu.wait_dma2 semaphore(%run_scoped3A : memref<!tpu.dma_semaphore, #tpu.memory_space<semaphore_mem>>) src(%arg11 : memref<10000x88xf32, #tpu.memory_space<vmem_shared>>) dst(%dma_wait3A_25 : memref<10000x88xf32, #tpu.memory_space<hbm>>)
        tpu.yield
      }) : () -> ()
    } else {
    }
    return
  }
}

module attributes {stable_mosaic.version = 14 : i64} {
  func.func @_edge_body(%arg0: i32, %arg1: memref<2000x8xf32, #tpu.memory_space<vmem>>, %arg2: memref<2000x3xf32, #tpu.memory_space<vmem>>, %arg3: memref<8x64xf32, #tpu.memory_space<vmem>>, %arg4: memref<64x128xf32, #tpu.memory_space<vmem>>, %arg5: memref<2x2000x88xf32, #tpu.memory_space<vmem>>) attributes {dimension_semantics = [#tpu.dimension_semantics<arbitrary>], iteration_bounds = array<i64: 160>, scalar_prefetch = 0 : i64, scratch_operands = 0 : i64, tpu.core_type = #tpu.core_type<tc>, window_params = [{transform_indices = @transform_0, window_bounds = array<i64: 2000, 8>}, {transform_indices = @transform_1, window_bounds = array<i64: 2000, 3>}, {pipeline_mode = #tpu.pipeline_mode<synchronous>, transform_indices = @transform_2, window_bounds = array<i64: 8, 64>}, {pipeline_mode = #tpu.pipeline_mode<synchronous>, transform_indices = @transform_3, window_bounds = array<i64: 64, 128>}, {transform_indices = @transform_4, window_bounds = array<i64: 2, 2000, 88>}]} {
    %get3A = arith.constant 0 : index
    %get3A_0 = arith.constant 0 : index
    %get3A_1 = vector.load %arg1[%get3A, %get3A_0] : memref<2000x8xf32, #tpu.memory_space<vmem>>, vector<2000x8xf32>
    %get3A_2 = arith.constant 0 : index
    %get3A_3 = arith.constant 0 : index
    %get3A_4 = vector.load %arg3[%get3A_2, %get3A_3] : memref<8x64xf32, #tpu.memory_space<vmem>>, vector<8x64xf32>
    %dot_general3A = arith.constant dense<0.000000e+00> : vector<2000x64xf32>
    %dot_general3A_5 = tpu.matmul %get3A_1, %get3A_4, %dot_general3A {dimension_numbers = #tpu.dot_dimension_numbers<[1], [0], [0], [1], [0, 0, 1, 1], [], []>, transpose_lhs_hint = false} : vector<2000x8xf32>, vector<8x64xf32>, vector<2000x64xf32> -> vector<2000x64xf32>
    %logistic3A = arith.negf %dot_general3A_5 : vector<2000x64xf32>
    %logistic3A_6 = math.exp %logistic3A : vector<2000x64xf32>
    %logistic3A_7 = arith.constant 1.000000e+00 : f32
    %logistic3A_8 = vector.broadcast %logistic3A_7 : f32 to vector<2000x64xf32>
    %logistic3A_9 = arith.addf %logistic3A_8, %logistic3A_6 : vector<2000x64xf32>
    %logistic3A_10 = arith.divf %logistic3A_8, %logistic3A_9 : vector<2000x64xf32>
    %mul3A = arith.mulf %dot_general3A_5, %logistic3A_10 : vector<2000x64xf32>
    %get3A_11 = arith.constant 0 : index
    %get3A_12 = arith.constant 0 : index
    %get3A_13 = vector.load %arg4[%get3A_11, %get3A_12] : memref<64x128xf32, #tpu.memory_space<vmem>>, vector<64x128xf32>
    %dot_general3A_14 = arith.constant dense<0.000000e+00> : vector<2000x128xf32>
    %dot_general3A_15 = tpu.matmul %mul3A, %get3A_13, %dot_general3A_14 {dimension_numbers = #tpu.dot_dimension_numbers<[1], [0], [0], [1], [0, 0, 1, 1], [], []>, transpose_lhs_hint = false} : vector<2000x64xf32>, vector<64x128xf32>, vector<2000x128xf32> -> vector<2000x128xf32>
    %get3A_16 = arith.constant 0 : index
    %get3A_17 = arith.constant 0 : index
    %get3A_18 = vector.load %arg2[%get3A_16, %get3A_17] : memref<2000x3xf32, #tpu.memory_space<vmem>>, vector<2000x3xf32>
    %slice3A = vector.extract_strided_slice %get3A_18 {offsets = [0, 0], sizes = [2000, 1], strides = [1, 1]} : vector<2000x3xf32> to vector<2000x1xf32>
    %integer_pow3A = arith.mulf %slice3A, %slice3A : vector<2000x1xf32>
    %slice3A_19 = vector.extract_strided_slice %get3A_18 {offsets = [0, 1], sizes = [2000, 1], strides = [1, 1]} : vector<2000x3xf32> to vector<2000x1xf32>
    %integer_pow3A_20 = arith.mulf %slice3A_19, %slice3A_19 : vector<2000x1xf32>
    %add3A = arith.addf %integer_pow3A, %integer_pow3A_20 : vector<2000x1xf32>
    %slice3A_21 = vector.extract_strided_slice %get3A_18 {offsets = [0, 2], sizes = [2000, 1], strides = [1, 1]} : vector<2000x3xf32> to vector<2000x1xf32>
    %integer_pow3A_22 = arith.mulf %slice3A_21, %slice3A_21 : vector<2000x1xf32>
    %add3A_23 = arith.addf %add3A, %integer_pow3A_22 : vector<2000x1xf32>
    %sqrt3A = math.sqrt %add3A_23 : vector<2000x1xf32>
    %add3A_24 = arith.constant 9.99999971E-10 : f32
    %add3A_25 = vector.broadcast %add3A_24 : f32 to vector<2000x1xf32>
    %add3A_26 = arith.addf %sqrt3A, %add3A_25 : vector<2000x1xf32>
    %div3A = arith.constant 1.000000e+00 : f32
    %div3A_27 = vector.broadcast %div3A : f32 to vector<2000x1xf32>
    %div3A_28 = arith.divf %div3A_27, %add3A_26 : vector<2000x1xf32>
    %slice3A_29 = vector.extract_strided_slice %get3A_18 {offsets = [0, 0], sizes = [2000, 1], strides = [1, 1]} : vector<2000x3xf32> to vector<2000x1xf32>
    %mul3A_30 = arith.mulf %slice3A_29, %div3A_28 : vector<2000x1xf32>
    %slice3A_31 = vector.extract_strided_slice %get3A_18 {offsets = [0, 1], sizes = [2000, 1], strides = [1, 1]} : vector<2000x3xf32> to vector<2000x1xf32>
    %mul3A_32 = arith.mulf %slice3A_31, %div3A_28 : vector<2000x1xf32>
    %slice3A_33 = vector.extract_strided_slice %get3A_18 {offsets = [0, 2], sizes = [2000, 1], strides = [1, 1]} : vector<2000x3xf32> to vector<2000x1xf32>
    %mul3A_34 = arith.mulf %slice3A_33, %div3A_28 : vector<2000x1xf32>
    %slice3A_35 = vector.extract_strided_slice %dot_general3A_15 {offsets = [0, 0], sizes = [2000, 8], strides = [1, 1]} : vector<2000x128xf32> to vector<2000x8xf32>
    %slice3A_36 = vector.extract_strided_slice %dot_general3A_15 {offsets = [0, 0], sizes = [2000, 64], strides = [1, 1]} : vector<2000x128xf32> to vector<2000x64xf32>
    %mul3A_37 = vector.broadcast %mul3A_30 : vector<2000x1xf32> to vector<2000x8xf32>
    %mul3A_38 = arith.mulf %mul3A_37, %slice3A_35 : vector<2000x8xf32>
    %mul3A_39 = vector.broadcast %mul3A_32 : vector<2000x1xf32> to vector<2000x8xf32>
    %mul3A_40 = arith.mulf %mul3A_39, %slice3A_35 : vector<2000x8xf32>
    %mul3A_41 = vector.broadcast %mul3A_34 : vector<2000x1xf32> to vector<2000x8xf32>
    %mul3A_42 = arith.mulf %mul3A_41, %slice3A_35 : vector<2000x8xf32>
    %concatenate3A = tpu.concatenate %slice3A_36, %mul3A_38, %mul3A_40, %mul3A_42 in 1 : vector<2000x64xf32>, vector<2000x8xf32>, vector<2000x8xf32>, vector<2000x8xf32> -> vector<2000x88xf32>
    %swap3A = arith.constant 0 : index
    %swap3A_43 = arith.constant 0 : index
    %swap3A_44 = arith.constant 0 : index
    %swap3A_45 = vector.load %arg5[%swap3A, %swap3A_43, %swap3A_44] : memref<2x2000x88xf32, #tpu.memory_space<vmem>>, vector<1x2000x88xf32>
    %swap3A_46 = vector.shape_cast %swap3A_45 : vector<1x2000x88xf32> to vector<2000x88xf32>
    %swap3A_47 = vector.shape_cast %concatenate3A : vector<2000x88xf32> to vector<1x2000x88xf32>
    tpu.vector_store %arg5[%swap3A, %swap3A_43, %swap3A_44], %swap3A_47 {strides = array<i32>} : memref<2x2000x88xf32, #tpu.memory_space<vmem>>, vector<1x2000x88xf32>,
    %slice3A_48 = vector.extract_strided_slice %dot_general3A_15 {offsets = [0, 8], sizes = [2000, 8], strides = [1, 1]} : vector<2000x128xf32> to vector<2000x8xf32>
    %slice3A_49 = vector.extract_strided_slice %dot_general3A_15 {offsets = [0, 64], sizes = [2000, 64], strides = [1, 1]} : vector<2000x128xf32> to vector<2000x64xf32>
    %mul3A_50 = vector.broadcast %mul3A_30 : vector<2000x1xf32> to vector<2000x8xf32>
    %mul3A_51 = arith.mulf %mul3A_50, %slice3A_48 : vector<2000x8xf32>
    %mul3A_52 = vector.broadcast %mul3A_32 : vector<2000x1xf32> to vector<2000x8xf32>
    %mul3A_53 = arith.mulf %mul3A_52, %slice3A_48 : vector<2000x8xf32>
    %mul3A_54 = vector.broadcast %mul3A_34 : vector<2000x1xf32> to vector<2000x8xf32>
    %mul3A_55 = arith.mulf %mul3A_54, %slice3A_48 : vector<2000x8xf32>
    %concatenate3A_56 = tpu.concatenate %slice3A_49, %mul3A_51, %mul3A_53, %mul3A_55 in 1 : vector<2000x64xf32>, vector<2000x8xf32>, vector<2000x8xf32>, vector<2000x8xf32> -> vector<2000x88xf32>
    %swap3A_57 = arith.constant 1 : index
    %swap3A_58 = arith.constant 0 : index
    %swap3A_59 = arith.constant 0 : index
    %swap3A_60 = vector.load %arg5[%swap3A_57, %swap3A_58, %swap3A_59] : memref<2x2000x88xf32, #tpu.memory_space<vmem>>, vector<1x2000x88xf32>
    %swap3A_61 = vector.shape_cast %swap3A_60 : vector<1x2000x88xf32> to vector<2000x88xf32>
    %swap3A_62 = vector.shape_cast %concatenate3A_56 : vector<2000x88xf32> to vector<1x2000x88xf32>
    tpu.vector_store %arg5[%swap3A_57, %swap3A_58, %swap3A_59], %swap3A_62 {strides = array<i32>} : memref<2x2000x88xf32, #tpu.memory_space<vmem>>, vector<1x2000x88xf32>,
    return
  }
  func.func @transform_0(%arg0: i32) -> (i32, i32) {
    %c0_i32 = arith.constant 0 : i32
    %c0_i32_0 = arith.constant 0 : i32
    return %arg0, %c0_i32 : i32, i32
  }
  func.func @transform_1(%arg0: i32) -> (i32, i32) {
    %c0_i32 = arith.constant 0 : i32
    %c0_i32_0 = arith.constant 0 : i32
    return %arg0, %c0_i32 : i32, i32
  }
  func.func @transform_2(%arg0: i32) -> (i32, i32) {
    %c0_i32 = arith.constant 0 : i32
    %c0_i32_0 = arith.constant 0 : i32
    %c0_i32_1 = arith.constant 0 : i32
    return %c0_i32, %c0_i32_0 : i32, i32
  }
  func.func @transform_3(%arg0: i32) -> (i32, i32) {
    %c0_i32 = arith.constant 0 : i32
    %c0_i32_0 = arith.constant 0 : i32
    %c0_i32_1 = arith.constant 0 : i32
    return %c0_i32, %c0_i32_0 : i32, i32
  }
  func.func @transform_4(%arg0: i32) -> (i32, i32, i32) {
    %c0_i32 = arith.constant 0 : i32
    %c0_i32_0 = arith.constant 0 : i32
    %c0_i32_1 = arith.constant 0 : i32
    return %c0_i32, %arg0, %c0_i32_0 : i32, i32, i32
  }
}

module attributes {stable_mosaic.version = 14 : i64} {
  func.func @_node_body(%arg0: i32, %arg1: memref<2x1000x88xf32, #tpu.memory_space<vmem>>, %arg2: memref<1000x128xf32, #tpu.memory_space<vmem>>, %arg3: memref<1000x1xi32, #tpu.memory_space<vmem>>, %arg4: memref<16x64xf32, #tpu.memory_space<vmem>>, %arg5: memref<128x128xf32, #tpu.memory_space<vmem>>, %arg6: memref<16x128xf32, #tpu.memory_space<vmem>>, %arg7: memref<64x128xf32, #tpu.memory_space<vmem>>, %arg8: memref<128x128xf32, #tpu.memory_space<vmem>>, %arg9: memref<1x128xf32, #tpu.memory_space<vmem>>, %arg10: memref<128x1xf32, #tpu.memory_space<vmem>>, %arg11: memref<1000x128xf32, #tpu.memory_space<vmem>>, %arg12: memref<1000x1xf32, #tpu.memory_space<vmem>>) attributes {dimension_semantics = [#tpu.dimension_semantics<arbitrary>], iteration_bounds = array<i64: 10>, scalar_prefetch = 0 : i64, scratch_operands = 0 : i64, tpu.core_type = #tpu.core_type<tc>, window_params = [{transform_indices = @transform_0, window_bounds = array<i64: 2, 1000, 88>}, {transform_indices = @transform_1, window_bounds = array<i64: 1000, 128>}, {transform_indices = @transform_2, window_bounds = array<i64: 1000, 1>}, {pipeline_mode = #tpu.pipeline_mode<synchronous>, transform_indices = @transform_3, window_bounds = array<i64: 16, 64>}, {pipeline_mode = #tpu.pipeline_mode<synchronous>, transform_indices = @transform_4, window_bounds = array<i64: 128, 128>}, {pipeline_mode = #tpu.pipeline_mode<synchronous>, transform_indices = @transform_5, window_bounds = array<i64: 16, 128>}, {pipeline_mode = #tpu.pipeline_mode<synchronous>, transform_indices = @transform_6, window_bounds = array<i64: 64, 128>}, {pipeline_mode = #tpu.pipeline_mode<synchronous>, transform_indices = @transform_7, window_bounds = array<i64: 128, 128>}, {pipeline_mode = #tpu.pipeline_mode<synchronous>, transform_indices = @transform_8, window_bounds = array<i64: 1, 128>}, {pipeline_mode = #tpu.pipeline_mode<synchronous>, transform_indices = @transform_9, window_bounds = array<i64: 128, 1>}, {transform_indices = @transform_10, window_bounds = array<i64: 1000, 128>}, {transform_indices = @transform_11, window_bounds = array<i64: 1000, 1>}]} {
    %get3A = arith.constant 0 : index
    %get3A_0 = arith.constant 0 : index
    %get3A_1 = arith.constant 0 : index
    %get3A_2 = vector.load %arg1[%get3A, %get3A_0, %get3A_1] : memref<2x1000x88xf32, #tpu.memory_space<vmem>>, vector<1x1000x64xf32>
    %get3A_3 = vector.shape_cast %get3A_2 : vector<1x1000x64xf32> to vector<1000x64xf32>
    %get3A_4 = arith.constant 1 : index
    %get3A_5 = arith.constant 0 : index
    %get3A_6 = arith.constant 0 : index
    %get3A_7 = vector.load %arg1[%get3A_4, %get3A_5, %get3A_6] : memref<2x1000x88xf32, #tpu.memory_space<vmem>>, vector<1x1000x64xf32>
    %get3A_8 = vector.shape_cast %get3A_7 : vector<1x1000x64xf32> to vector<1000x64xf32>
    %concatenate3A = tpu.concatenate %get3A_3, %get3A_8 in 1 : vector<1000x64xf32>, vector<1000x64xf32> -> vector<1000x128xf32>
    %get3A_9 = arith.constant 0 : index
    %get3A_10 = arith.constant 0 : index
    %get3A_11 = arith.constant 64 : index
    %get3A_12 = vector.load %arg1[%get3A_9, %get3A_10, %get3A_11] : memref<2x1000x88xf32, #tpu.memory_space<vmem>>, vector<1x1000x24xf32>
    %get3A_13 = vector.shape_cast %get3A_12 : vector<1x1000x24xf32> to vector<1000x24xf32>
    %slice3A = vector.extract_strided_slice %get3A_13 {offsets = [0, 0], sizes = [1000, 8], strides = [1, 1]} : vector<1000x24xf32> to vector<1000x8xf32>
    %integer_pow3A = arith.mulf %slice3A, %slice3A : vector<1000x8xf32>
    %slice3A_14 = vector.extract_strided_slice %get3A_13 {offsets = [0, 8], sizes = [1000, 8], strides = [1, 1]} : vector<1000x24xf32> to vector<1000x8xf32>
    %integer_pow3A_15 = arith.mulf %slice3A_14, %slice3A_14 : vector<1000x8xf32>
    %add3A = arith.addf %integer_pow3A, %integer_pow3A_15 : vector<1000x8xf32>
    %slice3A_16 = vector.extract_strided_slice %get3A_13 {offsets = [0, 16], sizes = [1000, 8], strides = [1, 1]} : vector<1000x24xf32> to vector<1000x8xf32>
    %integer_pow3A_17 = arith.mulf %slice3A_16, %slice3A_16 : vector<1000x8xf32>
    %add3A_18 = arith.addf %add3A, %integer_pow3A_17 : vector<1000x8xf32>
    %add3A_19 = arith.constant 9.99999971E-10 : f32
    %add3A_20 = vector.broadcast %add3A_19 : f32 to vector<1000x8xf32>
    %add3A_21 = arith.addf %add3A_18, %add3A_20 : vector<1000x8xf32>
    %sqrt3A = math.sqrt %add3A_21 : vector<1000x8xf32>
    %get3A_22 = arith.constant 1 : index
    %get3A_23 = arith.constant 0 : index
    %get3A_24 = arith.constant 64 : index
    %get3A_25 = vector.load %arg1[%get3A_22, %get3A_23, %get3A_24] : memref<2x1000x88xf32, #tpu.memory_space<vmem>>, vector<1x1000x24xf32>
    %get3A_26 = vector.shape_cast %get3A_25 : vector<1x1000x24xf32> to vector<1000x24xf32>
    %slice3A_27 = vector.extract_strided_slice %get3A_26 {offsets = [0, 0], sizes = [1000, 8], strides = [1, 1]} : vector<1000x24xf32> to vector<1000x8xf32>
    %integer_pow3A_28 = arith.mulf %slice3A_27, %slice3A_27 : vector<1000x8xf32>
    %slice3A_29 = vector.extract_strided_slice %get3A_26 {offsets = [0, 8], sizes = [1000, 8], strides = [1, 1]} : vector<1000x24xf32> to vector<1000x8xf32>
    %integer_pow3A_30 = arith.mulf %slice3A_29, %slice3A_29 : vector<1000x8xf32>
    %add3A_31 = arith.addf %integer_pow3A_28, %integer_pow3A_30 : vector<1000x8xf32>
    %slice3A_32 = vector.extract_strided_slice %get3A_26 {offsets = [0, 16], sizes = [1000, 8], strides = [1, 1]} : vector<1000x24xf32> to vector<1000x8xf32>
    %integer_pow3A_33 = arith.mulf %slice3A_32, %slice3A_32 : vector<1000x8xf32>
    %add3A_34 = arith.addf %add3A_31, %integer_pow3A_33 : vector<1000x8xf32>
    %add3A_35 = arith.constant 9.99999971E-10 : f32
    %add3A_36 = vector.broadcast %add3A_35 : f32 to vector<1000x8xf32>
    %add3A_37 = arith.addf %add3A_34, %add3A_36 : vector<1000x8xf32>
    %sqrt3A_38 = math.sqrt %add3A_37 : vector<1000x8xf32>
    %concatenate3A_39 = tpu.concatenate %sqrt3A, %sqrt3A_38 in 1 : vector<1000x8xf32>, vector<1000x8xf32> -> vector<1000x16xf32>
    %get3A_40 = arith.constant 0 : index
    %get3A_41 = arith.constant 0 : index
    %get3A_42 = vector.load %arg5[%get3A_40, %get3A_41] : memref<128x128xf32, #tpu.memory_space<vmem>>, vector<128x128xf32>
    %dot_general3A = arith.constant dense<0.000000e+00> : vector<1000x128xf32>
    %dot_general3A_43 = tpu.matmul %concatenate3A, %get3A_42, %dot_general3A {dimension_numbers = #tpu.dot_dimension_numbers<[1], [0], [0], [1], [0, 0, 1, 1], [], []>, transpose_lhs_hint = false} : vector<1000x128xf32>, vector<128x128xf32>, vector<1000x128xf32> -> vector<1000x128xf32>
    %get3A_44 = arith.constant 0 : index
    %get3A_45 = arith.constant 0 : index
    %get3A_46 = vector.load %arg6[%get3A_44, %get3A_45] : memref<16x128xf32, #tpu.memory_space<vmem>>, vector<16x128xf32>
    %dot_general3A_47 = arith.constant dense<0.000000e+00> : vector<1000x128xf32>
    %dot_general3A_48 = tpu.matmul %concatenate3A_39, %get3A_46, %dot_general3A_47 {dimension_numbers = #tpu.dot_dimension_numbers<[1], [0], [0], [1], [0, 0, 1, 1], [], []>, transpose_lhs_hint = false} : vector<1000x16xf32>, vector<16x128xf32>, vector<1000x128xf32> -> vector<1000x128xf32>
    %add3A_49 = arith.addf %dot_general3A_43, %dot_general3A_48 : vector<1000x128xf32>
    %get3A_50 = arith.constant 0 : index
    %get3A_51 = arith.constant 0 : index
    %get3A_52 = vector.load %arg3[%get3A_50, %get3A_51] : memref<1000x1xi32, #tpu.memory_space<vmem>>, vector<1000x1xi32>
    %iota3A = tpu.iota {dimensions = array<i32: 1>} : vector<1000x16xi32>
    %eq3A = vector.broadcast %get3A_52 : vector<1000x1xi32> to vector<1000x16xi32>
    %eq3A_53 = arith.cmpi eq, %eq3A, %iota3A : vector<1000x16xi32>
    %convert_element_type3A = arith.extui %eq3A_53 : vector<1000x16xi1> to vector<1000x16xi32>
    %convert_element_type3A_54 = arith.sitofp %convert_element_type3A : vector<1000x16xi32> to vector<1000x16xf32>
    %get3A_55 = arith.constant 0 : index
    %get3A_56 = arith.constant 0 : index
    %get3A_57 = vector.load %arg4[%get3A_55, %get3A_56] : memref<16x64xf32, #tpu.memory_space<vmem>>, vector<16x64xf32>
    %dot_general3A_58 = arith.constant dense<0.000000e+00> : vector<1000x64xf32>
    %dot_general3A_59 = tpu.matmul %convert_element_type3A_54, %get3A_57, %dot_general3A_58 {dimension_numbers = #tpu.dot_dimension_numbers<[1], [0], [0], [1], [0, 0, 1, 1], [], []>, transpose_lhs_hint = false} : vector<1000x16xf32>, vector<16x64xf32>, vector<1000x64xf32> -> vector<1000x64xf32>
    %get3A_60 = arith.constant 0 : index
    %get3A_61 = arith.constant 0 : index
    %get3A_62 = vector.load %arg7[%get3A_60, %get3A_61] : memref<64x128xf32, #tpu.memory_space<vmem>>, vector<64x128xf32>
    %dot_general3A_63 = arith.constant dense<0.000000e+00> : vector<1000x128xf32>
    %dot_general3A_64 = tpu.matmul %dot_general3A_59, %get3A_62, %dot_general3A_63 {dimension_numbers = #tpu.dot_dimension_numbers<[1], [0], [0], [1], [0, 0, 1, 1], [], []>, transpose_lhs_hint = false} : vector<1000x64xf32>, vector<64x128xf32>, vector<1000x128xf32> -> vector<1000x128xf32>
    %tanh3A = math.tanh %dot_general3A_64 : vector<1000x128xf32>
    %add3A_65 = arith.addf %add3A_49, %tanh3A : vector<1000x128xf32>
    %reduce_sum3A = arith.constant dense<0.000000e+00> : vector<1000xf32>
    %reduce_sum3A_66 = vector.multi_reduction <add>, %add3A_65, %reduce_sum3A [1] : vector<1000x128xf32> to vector<1000xf32>
    %broadcast_in_dim3A = vector.shape_cast %reduce_sum3A_66 : vector<1000xf32> to vector<1000x1xf32>
    %div3A = arith.constant 1.280000e+02 : f32
    %div3A_67 = vector.broadcast %div3A : f32 to vector<1000x1xf32>
    %div3A_68 = arith.divf %broadcast_in_dim3A, %div3A_67 : vector<1000x1xf32>
    %sub3A = vector.broadcast %div3A_68 : vector<1000x1xf32> to vector<1000x128xf32>
    %sub3A_69 = arith.subf %add3A_65, %sub3A : vector<1000x128xf32>
    %mul3A = arith.mulf %sub3A_69, %sub3A_69 : vector<1000x128xf32>
    %reduce_sum3A_70 = arith.constant dense<0.000000e+00> : vector<1000xf32>
    %reduce_sum3A_71 = vector.multi_reduction <add>, %mul3A, %reduce_sum3A_70 [1] : vector<1000x128xf32> to vector<1000xf32>
    %broadcast_in_dim3A_72 = vector.shape_cast %reduce_sum3A_71 : vector<1000xf32> to vector<1000x1xf32>
    %div3A_73 = arith.constant 1.280000e+02 : f32
    %div3A_74 = vector.broadcast %div3A_73 : f32 to vector<1000x1xf32>
    %div3A_75 = arith.divf %broadcast_in_dim3A_72, %div3A_74 : vector<1000x1xf32>
    %add3A_76 = arith.constant 9.99999997E-7 : f32
    %add3A_77 = vector.broadcast %add3A_76 : f32 to vector<1000x1xf32>
    %add3A_78 = arith.addf %div3A_75, %add3A_77 : vector<1000x1xf32>
    %rsqrt3A = math.rsqrt %add3A_78 : vector<1000x1xf32>
    %mul3A_79 = vector.broadcast %rsqrt3A : vector<1000x1xf32> to vector<1000x128xf32>
    %mul3A_80 = arith.mulf %sub3A_69, %mul3A_79 : vector<1000x128xf32>
    %get3A_81 = arith.constant 0 : index
    %get3A_82 = arith.constant 0 : index
    %get3A_83 = vector.load %arg9[%get3A_81, %get3A_82] : memref<1x128xf32, #tpu.memory_space<vmem>>, vector<1x128xf32>
    %mul3A_84 = vector.broadcast %get3A_83 : vector<1x128xf32> to vector<1000x128xf32>
    %mul3A_85 = arith.mulf %mul3A_80, %mul3A_84 : vector<1000x128xf32>
    %get3A_86 = arith.constant 0 : index
    %get3A_87 = arith.constant 0 : index
    %get3A_88 = vector.load %arg2[%get3A_86, %get3A_87] : memref<1000x128xf32, #tpu.memory_space<vmem>>, vector<1000x128xf32>
    %get3A_89 = arith.constant 0 : index
    %get3A_90 = arith.constant 0 : index
    %get3A_91 = vector.load %arg8[%get3A_89, %get3A_90] : memref<128x128xf32, #tpu.memory_space<vmem>>, vector<128x128xf32>
    %dot_general3A_92 = arith.constant dense<0.000000e+00> : vector<1000x128xf32>
    %dot_general3A_93 = tpu.matmul %get3A_88, %get3A_91, %dot_general3A_92 {dimension_numbers = #tpu.dot_dimension_numbers<[1], [0], [0], [1], [0, 0, 1, 1], [], []>, transpose_lhs_hint = false} : vector<1000x128xf32>, vector<128x128xf32>, vector<1000x128xf32> -> vector<1000x128xf32>
    %add3A_94 = arith.addf %mul3A_85, %dot_general3A_93 : vector<1000x128xf32>
    %swap3A = arith.constant 0 : index
    %swap3A_95 = arith.constant 0 : index
    %swap3A_96 = vector.load %arg11[%swap3A, %swap3A_95] : memref<1000x128xf32, #tpu.memory_space<vmem>>, vector<1000x128xf32>
    tpu.vector_store %arg11[%swap3A, %swap3A_95], %add3A_94 {strides = array<i32>} : memref<1000x128xf32, #tpu.memory_space<vmem>>, vector<1000x128xf32>,
    %get3A_97 = arith.constant 0 : index
    %get3A_98 = arith.constant 0 : index
    %get3A_99 = vector.load %arg10[%get3A_97, %get3A_98] : memref<128x1xf32, #tpu.memory_space<vmem>>, vector<128x1xf32>
    %dot_general3A_100 = arith.constant dense<0.000000e+00> : vector<1000x1xf32>
    %dot_general3A_101 = tpu.matmul %add3A_94, %get3A_99, %dot_general3A_100 {dimension_numbers = #tpu.dot_dimension_numbers<[1], [0], [0], [1], [0, 0, 1, 1], [], []>, transpose_lhs_hint = false} : vector<1000x128xf32>, vector<128x1xf32>, vector<1000x1xf32> -> vector<1000x1xf32>
    %swap3A_102 = arith.constant 0 : index
    %swap3A_103 = arith.constant 0 : index
    %swap3A_104 = vector.load %arg12[%swap3A_102, %swap3A_103] : memref<1000x1xf32, #tpu.memory_space<vmem>>, vector<1000x1xf32>
    tpu.vector_store %arg12[%swap3A_102, %swap3A_103], %dot_general3A_101 {strides = array<i32>} : memref<1000x1xf32, #tpu.memory_space<vmem>>, vector<1000x1xf32>,
    return
  }
  func.func @transform_0(%arg0: i32) -> (i32, i32, i32) {
    %c0_i32 = arith.constant 0 : i32
    %c0_i32_0 = arith.constant 0 : i32
    %c0_i32_1 = arith.constant 0 : i32
    return %c0_i32, %arg0, %c0_i32_0 : i32, i32, i32
  }
  func.func @transform_1(%arg0: i32) -> (i32, i32) {
    %c0_i32 = arith.constant 0 : i32
    %c0_i32_0 = arith.constant 0 : i32
    return %arg0, %c0_i32 : i32, i32
  }
  func.func @transform_2(%arg0: i32) -> (i32, i32) {
    %c0_i32 = arith.constant 0 : i32
    %c0_i32_0 = arith.constant 0 : i32
    return %arg0, %c0_i32 : i32, i32
  }
  func.func @transform_3(%arg0: i32) -> (i32, i32) {
    %c0_i32 = arith.constant 0 : i32
    %c0_i32_0 = arith.constant 0 : i32
    %c0_i32_1 = arith.constant 0 : i32
    return %c0_i32, %c0_i32_0 : i32, i32
  }
  func.func @transform_4(%arg0: i32) -> (i32, i32) {
    %c0_i32 = arith.constant 0 : i32
    %c0_i32_0 = arith.constant 0 : i32
    %c0_i32_1 = arith.constant 0 : i32
    return %c0_i32, %c0_i32_0 : i32, i32
  }
  func.func @transform_5(%arg0: i32) -> (i32, i32) {
    %c0_i32 = arith.constant 0 : i32
    %c0_i32_0 = arith.constant 0 : i32
    %c0_i32_1 = arith.constant 0 : i32
    return %c0_i32, %c0_i32_0 : i32, i32
  }
  func.func @transform_6(%arg0: i32) -> (i32, i32) {
    %c0_i32 = arith.constant 0 : i32
    %c0_i32_0 = arith.constant 0 : i32
    %c0_i32_1 = arith.constant 0 : i32
    return %c0_i32, %c0_i32_0 : i32, i32
  }
  func.func @transform_7(%arg0: i32) -> (i32, i32) {
    %c0_i32 = arith.constant 0 : i32
    %c0_i32_0 = arith.constant 0 : i32
    %c0_i32_1 = arith.constant 0 : i32
    return %c0_i32, %c0_i32_0 : i32, i32
  }
  func.func @transform_8(%arg0: i32) -> (i32, i32) {
    %c0_i32 = arith.constant 0 : i32
    %c0_i32_0 = arith.constant 0 : i32
    %c0_i32_1 = arith.constant 0 : i32
    return %c0_i32, %c0_i32_0 : i32, i32
  }
  func.func @transform_9(%arg0: i32) -> (i32, i32) {
    %c0_i32 = arith.constant 0 : i32
    %c0_i32_0 = arith.constant 0 : i32
    %c0_i32_1 = arith.constant 0 : i32
    return %c0_i32, %c0_i32_0 : i32, i32
  }
  func.func @transform_10(%arg0: i32) -> (i32, i32) {
    %c0_i32 = arith.constant 0 : i32
    %c0_i32_0 = arith.constant 0 : i32
    return %arg0, %c0_i32 : i32, i32
  }
  func.func @transform_11(%arg0: i32) -> (i32, i32) {
    %c0_i32 = arith.constant 0 : i32
    %c0_i32_0 = arith.constant 0 : i32
    return %arg0, %c0_i32 : i32, i32
  }
}

</mosaic_0001>

<sc_bundles>
// kernel: kernel.5.cloned.1.call-start
scs
__scs_entry_jumppad:
0x0: {  	(pc) =	sbr.rel $0x88, $3  }
0x1: {  	(tag) =	ssettag $0x0;
	lr =	simm.s32 $0x1  }
0x2: {  	[smem:$0x3F92] =	sst lr;
	_ =	strace $0xD0000000  }
0x3: {  	_ = 	snop  }
0x4: {  	_ = 	snop  }
0x5: {  	_ = 	snop  }
0x6: {  	_ = 	snop  }
0x7: {  	_ = 	snop  }
__scs_overlays_trampoline_lowered:
0x8: {  	[smem:$0x3FA1] =	sst s0  }
0x9: {  	[smem:$0x3FA2] =	sst s1  }
0xa: {  	[smem:$0x3FA3] =	sst s2  }
0xb: {  	[smem:$0x3FA4] =	sst s3  }
0xc: {  	[smem:$0x3FA5] =	sst s4  }
0xd: {  	[smem:$0x3FA6] =	sst s5  }
0xe: {  	[smem:$0x3FA7] =	sst s6  }
0xf: {  	[smem:$0x3FA8] =	sst s7  }
0x10: {  	[smem:$0x3FA9] =	sst s8  }
0x11: {  	[smem:$0x3FAA] =	sst s9;
	s0 =	simm.s32 @!p0 $0x0  }
0x12: {  	s1 =	sld [smem:$0x3F90];
	s0 =	simm.s32 @p0 $0x1  }
0x13: {  	[smem:$0x3FAB] =	sst s0;
	s0 =	simm.s32 @!p1 $0x0  }
0x14: {  	s2 =	sld [smem:$0x3F8F];
	s0 =	simm.s32 @p1 $0x1  }
0x15: {  	[smem:$0x3FAC] =	sst s0;
	s0 =	simm.s32 @!p2 $0x0  }
0x16: {  	s3 =	sld [smem:$0x3FDB];
	s0 =	simm.s32 @p2 $0x1  }
0x17: {  	s4 =	simm.s32 $0x1BF5;
	[smem:$0x3FAE] =	sst s0  }
0x18: {  	s0 =	sld [smem:$0x3F91];
	_ =	swait.ge [sflag:s4], $0x0  }
0x19: {  	s7 =	sld [smem:$0x3F92]  }
0x1a: {  	s8 =	sadd.s32 $0xFFFFE003, lr  }
0x1b: {  	s9 =	sadd.s32 $0xFFFFFEF7, lr;
	s5 =	simm.s32 $0xFFFFFFFF;
	p2 =	slt.u32 s8, $0xFFFFF086  }
0x1c: {  	p1 =	slt.u32 s9, $0xF7A;
	s5 =	simm.s32 @!p2 $0x0  }
0x1d: {  	s5 =	simm.s32 @p1 $0x1;
	p0 =	seq.s32 s7, s2  }
0x1e: {  	s7 =	smul.u32 @!p0 $0xF7A, s2;
	p2 =	seq.s32 @!p0 s5, $0x0  }
0x1f: {  	s9 =	smul.u32 $0xF7A, s1;
	s8 =	simm.s32 @!p0 $0x1BF5;
	p2 =	por !p2, p0  }
0x20: {  	[sflag:s8] =	ssyncset.s32 @!p0 $0xFFFFF086;
	s6 =	sadd.s32 @!p0 s3, s7;
	s7 =	simm.s32 @!p0 $0x108  }
0x21: {  	s3 =	sadd.s32 s3, s9;
	s6 =	sadd.s32 @!p0 $0x88, s6;
	s7 =	simm.s32 @p2 $0x1082  }
0x22: {  	[simem:s7], [sflag:s8] =	dma.local @!p0 [hbm:s6], $0xF7A  }
0x23: {  	s9 =	sor.u32 $0xD0000000, s2;
	s6 =	simm.s32 $0x108;
	_ =	swait.ge @!p0 [sflag:s8], $0x0  }
0x24: {  	s3 =	sadd.s32 $0x88, s3;
	s6 =	simm.s32 @!p1 $0x1082;
	[sflag:s4] =	ssyncset.s32 $0xFFFFF086  }
0x25: {  	[simem:s6], [sflag:s4] =	dma.local [hbm:s3], $0xF7A  }
0x26: {  	[smem:$0x3F92] =	sst s1;
	(tag) =	ssettag s2;
	_ =	strace s9  }
0x27: {  	s1 =	sld [smem:$0x3FA2]  }
0x28: {  	s2 =	sld [smem:$0x3FA3]  }
0x29: {  	s4 =	sld [smem:$0x3FA5]  }
0x2a: {  	p0 =	seq.s32 s5, $0x0;
	s5 =	sld [smem:$0x3FA6]  }
0x2b: {  	s6 =	sld [smem:$0x3FA7]  }
0x2c: {  	s7 =	sld [smem:$0x3FA8]  }
0x2d: {  	s3 =	simm.s32 $0x108;
	s8 =	sld [smem:$0x3FA9]  }
0x2e: {  	s3 =	simm.s32 @!p0 $0x1082;
	s9 =	sld [smem:$0x3FAA]  }
0x2f: {  	lr =	sadd.s32 s0, s3;
	s0 =	sld [smem:$0x3FA1]  }
0x30: {  	s3 =	sld [smem:$0x3FA4]  }
0x31: {  	[smem:$0x3FAD] =	sst s10  }
0x32: {  	s10 =	sld [smem:$0x3FAB];
	_ =	sdelay $0x3  }
0x33: {  	p0 =	seq.s32 s10, $0x1;
	s10 =	sld [smem:$0x3FAD];
	_ =	sdelay $0x3  }
0x34: {  	[smem:$0x3FAD] =	sst s10  }
0x35: {  	s10 =	sld [smem:$0x3FAC];
	_ =	sdelay $0x3  }
0x36: {  	p1 =	seq.s32 s10, $0x1;
	s10 =	sld [smem:$0x3FAD];
	_ =	sdelay $0x3  }
0x37: {  	[smem:$0x3FAD] =	sst s10  }
0x38: {  	s10 =	sld [smem:$0x3FAE]  }
0x39: {  	_ = 	snop;
	(pc) =	sbr.ind lr, $3  }
0x3a: {  	_ = 	snop  }
0x3b: {  	_ = 	snop  }
0x3c: {  	p2 =	seq.s32 s10, $0x1;
	s10 =	sld [smem:$0x3FAD]  }
0x3d: {  	_ =	shalt  }
0x3e: {  	_ =	shalt  }
0x3f: {  	_ =	shalt  }
0x40: {  	_ =	shalt  }
0x41: {  	_ =	shalt  }
0x42: {  	_ =	shalt  }
0x43: {  	_ =	shalt  }
0x44: {  	_ =	shalt  }
0x45: {  	_ =	shalt  }
0x46: {  	_ =	shalt  }
0x47: {  	_ =	shalt  }
0x48: {  	_ =	shalt  }
0x49: {  	_ =	shalt  }
0x4a: {  	_ =	shalt  }
0x4b: {  	_ =	shalt  }
0x4c: {  	_ =	shalt  }
0x4d: {  	_ =	shalt  }
0x4e: {  	_ =	shalt  }
0x4f: {  	_ =	shalt  }
0x50: {  	_ =	shalt  }
0x51: {  	_ =	shalt  }
0x52: {  	_ =	shalt  }
0x53: {  	_ =	shalt  }
0x54: {  	_ =	shalt  }
0x55: {  	_ =	shalt  }
0x56: {  	_ =	shalt  }
0x57: {  	_ =	shalt  }
0x58: {  	_ =	shalt  }
0x59: {  	_ =	shalt  }
0x5a: {  	_ =	shalt  }
0x5b: {  	_ =	shalt  }
0x5c: {  	_ =	shalt  }
0x5d: {  	_ =	shalt  }
0x5e: {  	_ =	shalt  }
0x5f: {  	_ =	shalt  }
0x60: {  	_ =	shalt  }
0x61: {  	_ =	shalt  }
0x62: {  	_ =	shalt  }
0x63: {  	_ =	shalt  }
0x64: {  	_ =	shalt  }
0x65: {  	_ =	shalt  }
0x66: {  	_ =	shalt  }
0x67: {  	_ =	shalt  }
0x68: {  	_ =	shalt  }
0x69: {  	_ =	shalt  }
0x6a: {  	_ =	shalt  }
0x6b: {  	_ =	shalt  }
0x6c: {  	_ =	shalt  }
0x6d: {  	_ =	shalt  }
0x6e: {  	_ =	shalt  }
0x6f: {  	_ =	shalt  }
0x70: {  	_ =	shalt  }
0x71: {  	_ =	shalt  }
0x72: {  	_ =	shalt  }
0x73: {  	_ =	shalt  }
0x74: {  	_ =	shalt  }
0x75: {  	_ =	shalt  }
0x76: {  	_ =	shalt  }
0x77: {  	_ =	shalt  }
0x78: {  	_ =	shalt  }
0x79: {  	_ =	shalt  }
0x7a: {  	_ =	shalt  }
0x7b: {  	_ =	shalt  }
0x7c: {  	_ =	shalt  }
0x7d: {  	_ =	shalt  }
0x7e: {  	_ =	shalt  }
0x7f: {  	_ =	shalt  }
0x80: {  	_ =	shalt  }
0x81: {  	_ =	shalt  }
0x82: {  	_ =	shalt  }
0x83: {  	_ =	shalt  }
0x84: {  	_ =	shalt  }
0x85: {  	_ =	shalt  }
0x86: {  	_ =	shalt  }
0x87: {  	_ =	shalt  }
.Lfunc_end0:
.L_simem_size_0:
called_computation_lowered:
.L_overlay_start_0:
0x88: {  	s2 =	sld [smem:$0x3FD9]  }
0x89: {  	s3 =	sld [smem:$0x3FFE];
	_ =	sdelay $0x1  }
0x8a: {  	s1 =	srdreg.scid  }
0x8b: {  	s0 =	sand.u32 $0x1, s1  }
0x8c: {  	s17 =	sshll.u32 s0, $0xA;
	s2 =	sadd.s32 s3, s2  }
0x8d: {  	s2 =	sadd.s32 s2, s17  }
0x8e: {  	[smem:$0x3FB9] =	sst s2  }
0x8f: {  	_ = 	snop  }
0x90: {  	s2 =	sld [smem:$0x3FC8]  }
0x91: {  	s18 =	sld [smem:$0x3FC5]  }
0x92: {  	s4 =	sld [smem:$0x3FC4];
	(tm) =	ssettm $0x1  }
0x93: {  	s5 =	sld [smem:$0x3FFB];
	_ =	sdelay $0x3  }
0x94: {  	_ =	strace s5  }
0x95: {  	s5 =	sld [smem:$0x3FFC];
	_ =	sdelay $0x3  }
0x96: {  	_ =	strace s5  }
0x97: {  	s5 =	sld [smem:$0x3FFD];
	_ =	sdelay $0x3  }
0x98: {  	_ =	strace s5  }
0x99: {  	_ =	strace $0x8FFFFFFF  }
0x9a: {  	s19 =	sld [smem:$0x3FDB];
	_ =	sdelay $0x1  }
0x9b: {  	s6 =	simm.s32 $_scs_section_size  }
0x9c: {  	s7 =	simm.s32 $_size__tile_overlayer_lowered;
	s8 =	simm.s32 $_tile_overlayer_lowered  }
0x9d: {  	s22 =	simm.s32 $0x1BFF;
	s21 =	sshll.u32 s8, $0x1;
	s5 =	sadd.s32 s6, s19  }
0x9e: {  	s9 =	simm.s32 $0x0;
	s20 =	sshll.u32 s7, $0x1;
	s7 =	sadd.s32 s21, s5  }
0x9f: {  	[timem:s9], [sflag:s22] =	dma.local [hbm:s7], s20  }
0xa0: {  	_ =	swait.ge [sflag:s22], s20  }
0xa1: {  	s6 =	ssub.s32 $0x0, s20;
	[sflag:s22] =	ssyncset.done $0x0  }
0xa2: {  	[sflag:s22] =	ssyncadd.s32 s6;
	_ =	sdelay $0x1  }
0xa3: {  	s23 =	simm.s32 $0x1B8B  }
0xa4: {  	_ =	swait.ge [sflag:s23], $0x1  }
0xa5: {  	[sflag:s23] =	ssyncset.done $0x0  }
0xa6: {  	s25 =	simm.s32 $0x1B8E;
	s24 =	sld [smem:$0x3FFE];
	[sflag:s23] =	ssyncadd.s32 $0xFFFFFFFF  }
0xa7: {  	s26 =	simm.s32 $execute0_lowered;
	[smem:$0x3FD2] =	sst s25  }
0xa8: {  	s7 =	sshll.u32 s26, $0x1;
	_ =	strace $0x80000046;
	[dreg:$0x1] =	wrdreg $0xFFFFFFFF  }
0xa9: {  	s28 =	simm.s32 $_size_execute0_lowered;
	s5 =	sadd.s32 s5, s7;
	[dreg:$0x0] =	wrdreg $0x0  }
0xaa: {  	s7 =	sshll.u32 s28, $0x1;
	[dreg:$0x2] =	wrdreg s5  }
0xab: {  	[dreg:$0x3] =	wrdreg s7  }
0xac: {  	[dreg:$0x4] =	wrdreg $0xC0  }
0xad: {  	_ =	task [dreg:s9], $0x5FFFF  }
0xae: {  	[dreg:$0x1] =	wrdreg $0xFFFFFFFF  }
0xaf: {  	[dreg:$0x0] =	wrdreg $0x60  }
0xb0: {  	[dreg:$0x2] =	wrdreg s2  }
0xb1: {  	[dreg:$0x3] =	wrdreg s4  }
0xb2: {  	[dreg:$0x4] =	wrdreg s18  }
0xb3: {  	[dreg:$0x5] =	wrdreg s24  }
0xb4: {  	[dreg:$0x6] =	wrdreg $0x51000  }
0xb5: {  	[dreg:$0x7] =	wrdreg $0x9  }
0xb6: {  	_ =	task.clear_ibuf [dreg:s9], $0x8FFFF;
	_ =	strace $0x90000046  }
0xb7: {  	s29 =	simm.s32 $0x9;
	_ =	strace $0x80000048  }
0xb8: {  	_ =	swait.ge [sflag:s29], $0x1  }
0xb9: {  	[sflag:s29] =	ssyncadd.s32 $0xFFFFFFFF  }
0xba: {  	_ =	strace $0x90000048  }
0xbb: {  	_ =	sfence  }
0xbc: {  	s30 =	sld [smem:$0x0];
	_ =	sdelay $0x2  }
0xbd: {  	s31 =	sshll.u32 s1, $0xD;
	s1 =	sshrl.u32 s1, $0x2  }
0xbe: {  	s3 =	sand.u32 $0x4000, s31;
	s1 =	sadd.s32 s1, s30  }
0xbf: {  	s0 =	sor.u32 s3, s0;
	s1 =	sshll.u32 s1, $0x11  }
0xc0: {  	s0 =	sor.u32 s1, s0  }
0xc1: {  	s0 =	sadd.s32 $0x8F2B, s0  }
0xc2: {  	[sflag:s0] =	ssyncadd.remote.s32 $0x1  }
0xc3: {  	_ =	sfence.sel $0xFFFF  }
0xc4: {  	[dreg:$0x0] =	wrdreg $0xFFFFFFFF;
	(pc) =	sbr.abs _section_cstart, $3  }
0xc5: {  	[dreg:$0x1] =	wrdreg $0xFFFFFFFF  }
0xc6: {  	_ =	task.clear_ibuf [dreg:s9], $0x2FFFF;
	_ =	strace $0x9FFFFFFF  }
0xc7: {  	(tm) =	ssettm $0x7FFFFFFF  }
tec
execute0_lowered:
.L_overlay_start_1:
0x0: {  	(tag) =	ssettag $0x1  }
0x1: {  	s0 =	rddreg [dreg:$0x0]  }
0x2: {  	s2 =	rddreg [dreg:$0x1]  }
0x3: {  	s3 =	rddreg [dreg:$0x2]  }
0x4: {  	s6 =	rddreg [dreg:$0x3]  }
0x5: {  	s4 =	rddreg [dreg:$0x4]  }
0x6: {  	s7 =	srdreg.scid;
	s1 =	rddreg [dreg:$0x5]  }
0x7: {  	s5 =	simm.s32 $0x0;
	s24 =	stileid.u32;
	s19 =	simm.s32 $0x2  }
0x8: {  	s20 =	simm.s32 $0x80;
	s21 =	simm.s32 $0x50;
	s22 =	simm.s32 $0x100  }
0x9: {  	s23 =	simm.s32 $0x1;
	s7 =	sand.u32 $0x1, s7;
	s11 =	smul.u32 $0xA000, s24  }
0xa: {  	[smem:$0x7FF] =	sst s5;
	s18 =	sor.u32 $0x70, s24;
	s8 =	smul.u32 $0x4E2000, s7  }
0xb: {  	p1 =	sne.s32 s24, $0x0;
	_ =	strace $0x80000047;
	s9 =	smul.u32 $0x27100, s7  }
0xc: {  	s10 =	ssub.s32 $0x2, s7;
	s12 =	sshll.u32 s7, $0x6;
	s17 =	smul.u32 $0xA000, s18  }
0xd: {  	p0 =	sgt.u32 s18, $0x7C;
	s18 =	simm.s32 $0x2900;
	s31 =	sshrl.u32 s10, $0x1  }
0xe: {  	s25 =	sor.u32 $0x100, s12;
	s11 =	sshrl.u32 s11, $0x2;
	s8 =	sadd.s32 s8, s6  }
0xf: {  	s9 =	sadd.s32 s9, s6;
	s10 =	ssub.s32 s10, s31;
	s6 =	smul.u32 $0x4E20, s24;
	v1 =	vmov s25  }
0x10: {  	s17 =	sshrl.u32 s17, $0x2;
	s7 =	sadd.s32 $0x9C5A00, s8;
	s8 =	sadd.s32 $0x1A00, s9  }
0x11: {  	s9 =	sadd.s32 s11, s4;
	s10 =	smax.u32 s10, $0x1;
	s17 =	sadd.s32 s17, s4  }
0x12: {  	s11 =	sadd.s32 $0x28000, s9;
	s12 =	sadd.s32 $0x50000, s9;
	s13 =	sadd.s32 $0x78000, s9  }
0x13: {  	v0 =	vimm.f32 $0.0e+00;
	s14 =	sadd.s32 $0xA0000, s9;
	s15 =	sadd.s32 $0xC8000, s9;
	s16 =	sadd.s32 $0xF0000, s9  }
.LBB2_1:
0x14: {  	s24 =	simm.s32 $0x0;
	s25 =	simm.s32 $0x200  }
.LBB2_2:
0x15: {  	p2 =	sne.s32 s25, $0x9E00;
	[tilespmem:s24+$0x2950] =	vst.msk $0xff, v0  }
0x16: {  	[tilespmem:s24+$0x2900] =	vst.msk $0xff, v0  }
0x17: {  	[tilespmem:s24+$0x2908] =	vst.msk $0xff, v0  }
0x18: {  	[tilespmem:s24+$0x2910] =	vst.msk $0xff, v0  }
0x19: {  	[tilespmem:s24+$0x2918] =	vst.msk $0xff, v0  }
0x1a: {  	[tilespmem:s24+$0x2920] =	vst.msk $0xff, v0  }
.Ltmp0:
0x1b: {  	[tilespmem:s24+$0x2928] =	vst.msk $0xff, v0;
	(pc) =	sbr.rel @p2 .LBB2_2-.Ltmp0, $4  }
0x1c: {  	[tilespmem:s24+$0x2930] =	vst.msk $0xff, v0  }
0x1d: {  	[tilespmem:s24+$0x2938] =	vst.msk $0xff, v0  }
0x1e: {  	[tilespmem:s24+$0x2940] =	vst.msk $0xff, v0  }
0x1f: {  	[tilespmem:s24+$0x2948] =	vst.msk $0xff, v0;
	s24 =	sshra.s32 s25, $0x2;
	s25 =	sadd.s32 $0x200, s25  }
0x20: {  	[tilespmem:s24+$0x2950] =	vst.msk $0xff, v0  }
0x21: {  	[tilespmem:s24+$0x2900] =	vst.msk $0xff, v0  }
0x22: {  	[tilespmem:s24+$0x2908] =	vst.msk $0xff, v0  }
0x23: {  	[tilespmem:s24+$0x2910] =	vst.msk $0xff, v0  }
0x24: {  	[tilespmem:s24+$0x2918] =	vst.msk $0xff, v0  }
0x25: {  	[tilespmem:s24+$0x2920] =	vst.msk $0xff, v0  }
0x26: {  	[tilespmem:s24+$0x2928] =	vst.msk $0xff, v0  }
0x27: {  	[tilespmem:s24+$0x2930] =	vst.msk $0xff, v0  }
0x28: {  	[tilespmem:s24+$0x2938] =	vst.msk $0xff, v0  }
0x29: {  	[tilespmem:s24+$0x2940] =	vst.msk $0xff, v0  }
0x2a: {  	[tilespmem:s24+$0x2948] =	vst.msk $0xff, v0  }
0x2b: {  	[spmem:s9] =	stream.linear.scatter [tilespmem:s18], [sflag:$0x2], $0x2800, $0x38;
	[tilespmem:$0x127D8] =	vst v63  }
0x2c: {  	_ =	swait.ge [sflag:s19], $0x2800  }
0x2d: {  	[sflag:s19] =	ssyncset.done $0x0  }
0x2e: {  	[sflag:s19] =	ssyncadd.s32 $0xFFFFD800  }
0x2f: {  	[spmem:s11] =	stream.linear.scatter [tilespmem:s18], [sflag:$0x2], $0x2800, $0x38;
	[tilespmem:$0x127D8] =	vst v63  }
0x30: {  	_ =	swait.ge [sflag:s19], $0x2800  }
0x31: {  	[sflag:s19] =	ssyncset.done $0x0  }
0x32: {  	[sflag:s19] =	ssyncadd.s32 $0xFFFFD800  }
0x33: {  	[spmem:s12] =	stream.linear.scatter [tilespmem:s18], [sflag:$0x2], $0x2800, $0x38;
	[tilespmem:$0x127D8] =	vst v63  }
0x34: {  	_ =	swait.ge [sflag:s19], $0x2800  }
0x35: {  	[sflag:s19] =	ssyncset.done $0x0  }
0x36: {  	[sflag:s19] =	ssyncadd.s32 $0xFFFFD800  }
0x37: {  	[spmem:s13] =	stream.linear.scatter [tilespmem:s18], [sflag:$0x2], $0x2800, $0x38;
	[tilespmem:$0x127D8] =	vst v63  }
0x38: {  	_ =	swait.ge [sflag:s19], $0x2800  }
0x39: {  	[sflag:s19] =	ssyncset.done $0x0  }
0x3a: {  	[sflag:s19] =	ssyncadd.s32 $0xFFFFD800  }
0x3b: {  	[spmem:s14] =	stream.linear.scatter [tilespmem:s18], [sflag:$0x2], $0x2800, $0x38;
	[tilespmem:$0x127D8] =	vst v63  }
0x3c: {  	_ =	swait.ge [sflag:s19], $0x2800  }
0x3d: {  	[sflag:s19] =	ssyncset.done $0x0  }
0x3e: {  	[sflag:s19] =	ssyncadd.s32 $0xFFFFD800  }
0x3f: {  	[spmem:s15] =	stream.linear.scatter [tilespmem:s18], [sflag:$0x2], $0x2800, $0x38;
	[tilespmem:$0x127D8] =	vst v63  }
0x40: {  	_ =	swait.ge [sflag:s19], $0x2800  }
0x41: {  	[sflag:s19] =	ssyncset.done $0x0  }
0x42: {  	[sflag:s19] =	ssyncadd.s32 $0xFFFFD800  }
0x43: {  	[spmem:s16] =	stream.linear.scatter [tilespmem:s18], [sflag:$0x2], $0x2800, $0x38;
	[tilespmem:$0x127D8] =	vst v63  }
0x44: {  	_ =	swait.ge [sflag:s19], $0x2800  }
0x45: {  	[sflag:s19] =	ssyncset.done $0x0  }
0x46: {  	s24 =	simm.s32 @!p0 $0x2900;
	[sflag:s19] =	ssyncadd.s32 $0xFFFFD800  }
0x47: {  	[spmem:s17] =	stream.linear.scatter @!p0 [tilespmem:s24], [sflag:$0x2], $0x2800, $0x38;
	[tilespmem:$0x127D8] =	vst v63  }
0x48: {  	s24 =	simm.s32 @!p0 $0x2  }
0x49: {  	_ =	swait.ge @!p0 [sflag:s24], $0x2800  }
0x4a: {  	[sflag:s24] =	ssyncset.done @!p0 $0x0  }
0x4b: {  	[sflag:s24] =	ssyncadd.s32 @!p0 $0xFFFFD800  }
0x4c: {  	s25 =	simm.s32 $0x0;
	s24 =	simm.s32 $0x0;
	[bflag:$0x0] =	sbarrier.arrive $0xFFFF  }
.LBB2_4:
0x4d: {  	s26 =	smul.u32 $0x50, s25;
	_ =	sdelay $0x1  }
0x4e: {  	s26 =	sadd.s32 s6, s26  }
0x4f: {  	s28 =	sshrl.u32 s26, $0x3  }
0x50: {  	s29 =	sadd.s32 s2, s28  }
0x51: {  	[tilespmem:s24], [sflag:$0x2] =	stream.linear.gather [hbm4b:s29+s24], $0x50, $0x38;
	[tilespmem:$0x127D8] =	vst v63  }
0x52: {  	_ =	swait.ge [sflag:s19], $0x50  }
0x53: {  	[sflag:s19] =	ssyncset.done $0x0  }
0x54: {  	s28 =	sadd.s32 s3, s28;
	[sflag:s19] =	ssyncadd.s32 $0xFFFFFFB0  }
0x55: {  	[tilespmem:s20], [sflag:$0x2] =	stream.linear.gather [hbm4b:s28+s24], $0x50, $0x38;
	[tilespmem:$0x127D8] =	vst v63  }
0x56: {  	_ =	swait.ge [sflag:s19], $0x50  }
0x57: {  	[sflag:s19] =	ssyncset.done $0x0  }
0x58: {  	[sflag:s19] =	ssyncadd.s32 $0xFFFFFFB0  }
0x59: {  	[tilespmem:s22], [sflag:$0x1] =	stream.indirect.gather [hbm4b:s0+s21], $0x80, s24, s21, $0xb8;
	[tilespmem:$0x127D8] =	vst v63  }
0x5a: {  	_ =	swait.ge [sflag:s23], $0x2800  }
0x5b: {  	s26 =	sshll.u32 s26, $0x4;
	[sflag:s23] =	ssyncset.done $0x0  }
0x5c: {  	s26 =	sadd.s32 s26, s7;
	[sflag:s23] =	ssyncadd.s32 $0xFFFFD800  }
0x5d: {  	[tilespmem:s18], [sflag:$0x2] =	stream.linear.gather [hbm4b:s26+s24], $0x2800, $0x38;
	[tilespmem:$0x127D8] =	vst v63  }
0x5e: {  	_ =	swait.ge [sflag:s19], $0x2800  }
0x5f: {  	[sflag:s19] =	ssyncset.done $0x0  }
0x60: {  	s28 =	simm.s32 $0x200;
	s26 =	simm.s32 $0x0;
	[sflag:s19] =	ssyncadd.s32 $0xFFFFD800  }
.LBB2_5:
0x61: {  	p2 =	sne.s32 s28, $0x9E00;
	v2 =	vld.idx.msk [tilespmem:v1+s26+$0x0 ss:$0x1], $0xffff  }
0x62: {  	v3 =	vld [tilespmem:s26+$0x2900];
	_ =	sdelay $0x4  }
0x63: {  	v2 =	vmul.f32 v2, v3;
	_ =	sdelay $0x1  }
0x64: {  	[tilespmem:s26+$0x2900] =	vst v2  }
0x65: {  	v2 =	vld.idx.msk [tilespmem:v1+s26+$0x10 ss:$0x1], $0xffff  }
0x66: {  	v3 =	vld [tilespmem:s26+$0x2910];
	_ =	sdelay $0x4  }
0x67: {  	v2 =	vmul.f32 v2, v3;
	_ =	sdelay $0x1  }
0x68: {  	[tilespmem:s26+$0x2910] =	vst v2  }
0x69: {  	v2 =	vld.idx.msk [tilespmem:v1+s26+$0x20 ss:$0x1], $0xffff  }
0x6a: {  	v3 =	vld [tilespmem:s26+$0x2920];
	_ =	sdelay $0x4  }
0x6b: {  	v2 =	vmul.f32 v2, v3;
	_ =	sdelay $0x1  }
0x6c: {  	[tilespmem:s26+$0x2920] =	vst v2  }
0x6d: {  	v2 =	vld.idx.msk [tilespmem:v1+s26+$0x30 ss:$0x1], $0xffff  }
0x6e: {  	v3 =	vld [tilespmem:s26+$0x2930];
	_ =	sdelay $0x2  }
.Ltmp1:
0x6f: {  	(pc) =	sbr.rel @p2 .LBB2_5-.Ltmp1, $3  }
0x70: {  	_ = 	snop  }
0x71: {  	v2 =	vmul.f32 v2, v3;
	_ =	sdelay $0x1  }
0x72: {  	[tilespmem:s26+$0x2930] =	vst v2;
	s26 =	sshra.s32 s28, $0x2;
	s28 =	sadd.s32 $0x200, s28  }
0x73: {  	_ =	sdelay $0x3  }
0x74: {  	v2 =	vld.idx.msk [tilespmem:v1+s26+$0x0 ss:$0x1], $0xffff  }
0x75: {  	v3 =	vld [tilespmem:s26+$0x2900];
	_ =	sdelay $0x4  }
0x76: {  	v2 =	vmul.f32 v2, v3;
	_ =	sdelay $0x1  }
0x77: {  	v3 =	vld [tilespmem:s26+$0x2910];
	[tilespmem:s26+$0x2900] =	vst v2  }
0x78: {  	v2 =	vld.idx.msk [tilespmem:v1+s26+$0x10 ss:$0x1], $0xffff;
	_ =	sdelay $0x4  }
0x79: {  	v2 =	vmul.f32 v2, v3;
	_ =	sdelay $0x1  }
0x7a: {  	v3 =	vld [tilespmem:s26+$0x2920];
	[tilespmem:s26+$0x2910] =	vst v2  }
0x7b: {  	v2 =	vld.idx.msk [tilespmem:v1+s26+$0x20 ss:$0x1], $0xffff;
	_ =	sdelay $0x4  }
0x7c: {  	v2 =	vmul.f32 v2, v3;
	_ =	sdelay $0x1  }
0x7d: {  	v3 =	vld [tilespmem:s26+$0x2930];
	[tilespmem:s26+$0x2920] =	vst v2  }
0x7e: {  	v2 =	vld.idx.msk [tilespmem:v1+s26+$0x30 ss:$0x1], $0xffff;
	_ =	sdelay $0x4  }
0x7f: {  	s25 =	sadd.s32 $0x1, s25;
	v2 =	vmul.f32 v2, v3  }
0x80: {  	p2 =	sne.s32 s25, $0xFA  }
.Ltmp2:
0x81: {  	[tilespmem:s26+$0x2930] =	vst v2;
	(pc) =	sbr.rel @p2 .LBB2_4-.Ltmp2, $4  }
0x82: {  	[spmem:s4] =	stream.indirect.scatter.add.f32 [tilespmem:s18], [sflag:$0x2], $0x58, s20, s21, $0xb8;
	[tilespmem:$0x127D8] =	vst v63  }
0x83: {  	_ =	swait.ge [sflag:s19], $0x1B80  }
0x84: {  	[sflag:s19] =	ssyncset.done $0x0  }
0x85: {  	[sflag:s19] =	ssyncadd.s32 $0xFFFFE480  }
0x86: {  	[bflag:$0x0] =	sbarrier.arrive $0xFFFF  }
0x87: {  	s24 =	sshrl.u32 @!p1 s4, $0x3;
	s25 =	simm.s32 @!p1 $0x1C02;
	s5 =	sadd.s32 $0x1, s5  }
0x88: {  	[hbm:s8], [sflag:s25] =	dma.local @!p1 [spmem:s24], $0x27100  }
0x89: {  	p2 =	sne.s32 s5, s10  }
.Ltmp3:
0x8a: {  	_ = 	snop;
	(pc) =	sbr.rel @p2 .LBB2_1-.Ltmp3, $4  }
0x8b: {  	s24 =	simm.s32 @!p1 $0x2  }
0x8c: {  	_ =	swait.ge @!p1 [sflag:s24], $0x27100  }
0x8d: {  	[sflag:s24] =	ssyncset.done @!p1 $0x0  }
0x8e: {  	[sflag:s24] =	ssyncadd.s32 @!p1 $0xFFFD8F00  }
0x8f: {  	_ =	sfence.sel $0x180000  }
0x90: {  	[bflag:$0x0] =	sbarrier.arrive $0xFFFF  }
0x91: {  	_ =	strace $0x90000047  }
0x92: {  	s0 =	sadd.s32 @!p1 $0x100000, s1;
	[bflag:$0x2] =	sbarrier.arrive $0xFFFF  }
0x93: {  	[sflag:s0] =	ssyncadd.tile.s32 @!p1 $0x1;
	_ =	shalt  }
.Lfunc_end2:
_tile_overlayer_lowered:
.L_overlay_start_2:
0x94: {  	(tag) =	ssettag $0x2  }
0x95: {  	s0 =	rddreg [dreg:$0x0];
	s2 =	stileid.u32  }
0x96: {  	s1 =	rddreg [dreg:$0x1];
	p0 =	sne.s32 s2, $0x0  }
0x97: {  	s3 =	rddreg [dreg:$0x2];
	[bflag:$0x3] =	sbarrier.arrive $0xFFFF;
	s2 =	simm.s32 @!p0 $0x1C02  }
0x98: {  	[timem:s3], [sflag:s2] =	dma.local @!p0 [hbm:s0], s1  }
0x99: {  	s0 =	simm.s32 @!p0 $0x2  }
0x9a: {  	_ =	swait.ge @!p0 [sflag:s0], s1  }
0x9b: {  	s1 =	ssub.s32 @!p0 $0x0, s1;
	[sflag:s0] =	ssyncset.done @!p0 $0x0  }
0x9c: {  	[sflag:s0] =	ssyncadd.s32 @!p0 s1  }
0x9d: {  	[bflag:$0x3] =	sbarrier.arrive $0xFFFF  }
0x9e: {  	_ =	shalt  }

</sc_bundles>
